<compile_context>
chip_gen: v7x
topology: tpu7x:2x2x1
jax: 0.10.2.dev20260603
libtpu: 0.0.44.dev20260713+nightly
codegen_flags: <defaults>
</compile_context>

<pallas_src>
import functools

import jax
import jax.numpy as jnp
from jax import lax
from jax.experimental import pallas as pl
from jax.experimental.pallas import tpu as pltpu
from jax.experimental.pallas import tpu_sc as plsc

N = 100000
E = 3200000
NPAD = 102400
RP = NPAD // 16
PW = 8
ROWS = 2
LANES = 512
CHUNK = ROWS * LANES
NCHUNKS = E // CHUNK
NW = 32
ITERS = (NCHUNKS + NW - 1) // NW

_f32 = jnp.float32
_i32 = jnp.int32


def _sc_aggregate(x_pair, zeros, edge4):
    mesh = plsc.VectorSubcoreMesh(core_axis_name="c", subcore_axis_name="s")

    @functools.partial(
        pl.kernel,
        out_type=jax.ShapeDtypeStruct((2, NPAD, PW), _f32),
        mesh=mesh,
        scratch_types=(
            [pltpu.VMEM((LANES,), _i32) for _ in range(8 * ROWS)]
            + [pltpu.VMEM((LANES, PW), _f32) for _ in range(2 * ROWS)]
            + [
                pltpu.VMEM_SHARED((NPAD, PW), _f32),
                pltpu.VMEM_SHARED((NPAD, PW), _f32),
                pltpu.SemaphoreType.DMA,
                pltpu.SemaphoreType.DMA,
                pltpu.SemaphoreType.DMA,
                pltpu.SemaphoreType.DMA,
                pltpu.SemaphoreType.DMA,
                pltpu.SemaphoreType.DMA,
                pltpu.SemaphoreType.DMA,
            ]
        ),
        compiler_params=pltpu.CompilerParams(use_tc_tiling_on_sc=False),
    )
    def sc_agg(xp_hbm, z_hbm, edge_hbm, out_hbm, *refs):
        src_s = [refs[2 * s * ROWS:(2 * s + 1) * ROWS] for s in range(4)]
        dst_s = [refs[(2 * s + 1) * ROWS:(2 * s + 2) * ROWS] for s in range(4)]
        val_s = [refs[(8 + v) * ROWS:(9 + v) * ROWS] for v in range(2)]
        (x_sp, acc_sp, gsem, isem0, isem1, isem2, isem3,
         psem0, psem1) = refs[10 * ROWS:]
        isem_s = [isem0, isem1, isem2, isem3]
        psem_s = [psem0, psem1]
        cid = lax.axis_index("c")
        sid = lax.axis_index("s")
        wid = sid * 2 + cid
        off = sid * RP

        pltpu.sync_copy(xp_hbm.at[pl.ds(off, RP)], x_sp.at[pl.ds(off, RP)])
        pltpu.sync_copy(z_hbm.at[pl.ds(off, RP)], acc_sp.at[pl.ds(off, RP)])

        plsc.subcore_barrier()

        def issue_idx(t, src_v, dst_v, isem):
            for r in range(ROWS):
                pltpu.async_copy(edge_hbm.at[0, t, r], src_v[r], isem)
            for r in range(ROWS):
                pltpu.async_copy(edge_hbm.at[1, t, r], dst_v[r], isem)

        def wait_idx(t, src_v, dst_v, isem):
            for r in range(ROWS):
                pltpu.make_async_copy(edge_hbm.at[0, t, r], src_v[r],
                                      isem).wait()
            for r in range(ROWS):
                pltpu.make_async_copy(edge_hbm.at[1, t, r], dst_v[r],
                                      isem).wait()

        def process(src_v, dst_v, val_v, psem):
            gets = [
                pltpu.async_copy(x_sp.at[src_v[r]], val_v[r], gsem)
                for r in range(ROWS)
            ]
            for r in range(ROWS):
                gets[r].wait()
                pltpu.async_copy(val_v[r], acc_sp.at[dst_v[r]],
                                 psem, add=True)

        def wait_puts(dst_v, val_v, psem):
            for r in range(ROWS):
                pltpu.make_async_copy(val_v[r], acc_sp.at[dst_v[r]],
                                      psem).wait()

        issue_idx(wid, src_s[0], dst_s[0], isem_s[0])
        issue_idx(wid + NW, src_s[1], dst_s[1], isem_s[1])

        def chunk_body(i, _):
            for u in range(4):
                k = 4 * i + u
                t = wid + NW * k
                tp = t + 2 * NW

                @pl.when(t < NCHUNKS)
                def _(u=u, t=t):
                    wait_idx(t, src_s[u], dst_s[u], isem_s[u])
                    process(src_s[u], dst_s[u], val_s[u % 2], psem_s[u % 2])

                up = (u - 1) % 4

                @pl.when(jnp.logical_and(k > 0, t - NW < NCHUNKS))
                def _(up=up):
                    wait_puts(dst_s[up], val_s[up % 2], psem_s[up % 2])

                un = (u + 2) % 4

                @pl.when(tp < NCHUNKS)
                def _(un=un, tp=tp):
                    issue_idx(tp, src_s[un], dst_s[un], isem_s[un])

            return 0

        lax.fori_loop(0, (ITERS + 3) // 4, chunk_body, 0)

        plsc.subcore_barrier()

        pltpu.sync_copy(acc_sp.at[pl.ds(off, RP)],
                        out_hbm.at[cid, pl.ds(off, RP)])

    return sc_agg(x_pair, zeros, edge4)


def _epilogue(a0, a1, c0, c1, x2, wl, bl, wr, wlin, blin):

    def body(a0_r, a1_r, c0_r, c1_r, x_r, wl_r, bl_r, wr_r, wlin_r, blin_r, out_r):
        agg = a0_r[...] + a1_r[...]
        cnt = jnp.maximum(c0_r[...] + c1_r[...], 1.0)
        mean = agg / cnt
        xv = x_r[...]

        kk = lax.broadcasted_iota(_i32, (100, 400), 0)
        jj = lax.broadcasted_iota(_i32, (100, 400), 1)
        f = jj - 4 * (jj // 4)
        sel = (jj // 4) == kk

        def expand(w_r):
            v = jnp.where(
                f == 0, w_r[0, 0],
                jnp.where(f == 1, w_r[0, 1],
                          jnp.where(f == 2, w_r[0, 2], w_r[0, 3])))
            return jnp.where(sel, v, 0.0)

        s_l = expand(wl_r)
        s_r = expand(wr_r)

        j2 = lax.broadcasted_iota(_i32, (8, 400), 1)
        f2 = j2 - 4 * (j2 // 4)
        brow = jnp.where(
            f2 == 0, bl_r[0, 0],
            jnp.where(f2 == 1, bl_r[0, 1],
                      jnp.where(f2 == 2, bl_r[0, 2], bl_r[0, 3])))[:1]

        h = (jax.lax.dot(mean, s_l, precision=jax.lax.Precision.HIGHEST,
                         preferred_element_type=_f32)
             + jax.lax.dot(xv, s_r, precision=jax.lax.Precision.HIGHEST,
                           preferred_element_type=_f32))
        h = jnp.maximum(h + brow, 0.0)
        out = jax.lax.dot_general(
            h, wlin_r[...], (((1,), (1,)), ((), ())),
            precision=jax.lax.Precision.HIGHEST, preferred_element_type=_f32)
        out_r[...] = out + blin_r[...]

    return pl.pallas_call(
        body,
        out_shape=jax.ShapeDtypeStruct((1000, 10), _f32),
    )(a0, a1, c0, c1, x2, wl, bl, wr, wlin, blin)


def kernel(x, edge_index, W_l, b_l, W_r, W_lin, b_lin):
    x_pair = jnp.pad(
        jnp.concatenate([x, jnp.ones_like(x)], axis=1),
        ((0, NPAD - N), (0, PW - 2)))
    zeros = jnp.zeros((NPAD, PW), _f32)
    edge4 = edge_index.reshape(2, NCHUNKS, ROWS, LANES)
    accP = _sc_aggregate(x_pair, zeros, edge4)

    a0 = accP[0, :N, 0].reshape(1000, 100)
    a1 = accP[1, :N, 0].reshape(1000, 100)
    c0 = accP[0, :N, 1].reshape(1000, 100)
    c1 = accP[1, :N, 1].reshape(1000, 100)
    x2 = x.reshape(1000, 100)
    wl = W_l.reshape(1, 4)
    wr = W_r.reshape(1, 4)
    bl = b_l.reshape(1, 4)
    blin = b_lin.reshape(1, 10)
    return _epilogue(a0, a1, c0, c1, x2, wl, bl, wr, W_lin, blin)

# --- scband reference (transcript-rebuilt; emitter-appended) ---
"""Pipeline reference for scband-gnn-18339510354535 (READ-ONLY COPY).

The authoritative reference and input builder live on the scoring server;
editing this copy changes nothing except your own understanding.
"""

import jax, jax.numpy as jnp
import numpy as np

N = 100000
E = 3200000
N_FEATURES = 100
N_HIDDEN = 4
N_CLASSES = 10


def setup_inputs(seed: int = 0) -> dict:
    key = jax.random.key(seed)
    ks = jax.random.split(key, 8)
    x = jax.random.normal(ks[0], (N, 1), dtype=jnp.float32)
    edge_index = jax.random.randint(ks[1], (2, E), 0, N, dtype=jnp.int32)
    # SAGEConv(1, n_hidden) params: lin_l applied to aggregated neighbors (with bias), lin_r to root
    W_l = jax.random.normal(ks[2], (N_HIDDEN, 1), dtype=jnp.float32) * 0.5
    b_l = jax.random.normal(ks[3], (N_HIDDEN,), dtype=jnp.float32) * 0.1
    W_r = jax.random.normal(ks[4], (N_HIDDEN, 1), dtype=jnp.float32) * 0.5
    # final Linear(n_features * n_hidden, n_classes)
    fan_in = N_FEATURES * N_HIDDEN
    W_lin = jax.random.normal(ks[5], (N_CLASSES, fan_in), dtype=jnp.float32) * (1.0 / np.sqrt(fan_in))
    b_lin = jax.random.normal(ks[6], (N_CLASSES,), dtype=jnp.float32) * 0.05
    return {"x": x, "edge_index": edge_index, "W_l": W_l, "b_l": b_l, "W_r": W_r, "W_lin": W_lin, "b_lin": b_lin}


def reference(x, edge_index, W_l, b_l, W_r, W_lin, b_lin):
    src = edge_index[0]
    dst = edge_index[1]
    # SAGEConv with mean aggregation: gather source features, segment-mean over dst
    msg = jnp.take(x, src, axis=0)  # [E, 1]
    agg = jax.ops.segment_sum(msg, dst, num_segments=N)  # [N, 1]
    cnt = jax.ops.segment_sum(jnp.ones((E, 1), dtype=x.dtype), dst, num_segments=N)
    mean = agg / jnp.clip(cnt, 1.0)
    h = mean @ W_l.T + b_l + x @ W_r.T  # [N, n_hidden]
    h = jax.nn.relu(h)
    h = h.reshape(-1, N_FEATURES * N_HIDDEN)  # [N//n_features, n_features*n_hidden]
    out = h @ W_lin.T + b_lin  # [N//n_features, n_classes]
    return out

if __name__ == "__main__":
    import jax
    _d = setup_inputs()
    print(jax.jit(kernel)(*tuple(_d.values())))

</pallas_src>

<mosaic_0001>
#map = affine_map<(d0, d1) -> (0, 0)>
#map1 = affine_map<(d0, d1) -> (0, 0, 0, 0)>
#map2 = affine_map<(d0, d1) -> (0, 0, 0)>
module attributes {stable_mosaic.version = 14 : i64} {
  func.func @sc_agg(%arg0: i32, %arg1: i32, %arg2: memref<102400x8xf32, #tpu.memory_space<hbm>>, %arg3: memref<102400x8xf32, #tpu.memory_space<hbm>>, %arg4: memref<2x3125x2x512xi32, #tpu.memory_space<hbm>>, %arg5: memref<2x102400x8xf32, #tpu.memory_space<hbm>>, %arg6: memref<512xi32, #tpu.memory_space<vmem>>, %arg7: memref<512xi32, #tpu.memory_space<vmem>>, %arg8: memref<512xi32, #tpu.memory_space<vmem>>, %arg9: memref<512xi32, #tpu.memory_space<vmem>>, %arg10: memref<512xi32, #tpu.memory_space<vmem>>, %arg11: memref<512xi32, #tpu.memory_space<vmem>>, %arg12: memref<512xi32, #tpu.memory_space<vmem>>, %arg13: memref<512xi32, #tpu.memory_space<vmem>>, %arg14: memref<512xi32, #tpu.memory_space<vmem>>, %arg15: memref<512xi32, #tpu.memory_space<vmem>>, %arg16: memref<512xi32, #tpu.memory_space<vmem>>, %arg17: memref<512xi32, #tpu.memory_space<vmem>>, %arg18: memref<512xi32, #tpu.memory_space<vmem>>, %arg19: memref<512xi32, #tpu.memory_space<vmem>>, %arg20: memref<512xi32, #tpu.memory_space<vmem>>, %arg21: memref<512xi32, #tpu.memory_space<vmem>>, %arg22: memref<512x8xf32, #tpu.memory_space<vmem>>, %arg23: memref<512x8xf32, #tpu.memory_space<vmem>>, %arg24: memref<512x8xf32, #tpu.memory_space<vmem>>, %arg25: memref<512x8xf32, #tpu.memory_space<vmem>>, %arg26: memref<102400x8xf32, #tpu.memory_space<vmem_shared>>, %arg27: memref<102400x8xf32, #tpu.memory_space<vmem_shared>>, %arg28: memref<!tpu.dma_semaphore, #tpu.memory_space<semaphore_mem>>, %arg29: memref<!tpu.dma_semaphore, #tpu.memory_space<semaphore_mem>>, %arg30: memref<!tpu.dma_semaphore, #tpu.memory_space<semaphore_mem>>, %arg31: memref<!tpu.dma_semaphore, #tpu.memory_space<semaphore_mem>>, %arg32: memref<!tpu.dma_semaphore, #tpu.memory_space<semaphore_mem>>, %arg33: memref<!tpu.dma_semaphore, #tpu.memory_space<semaphore_mem>>, %arg34: memref<!tpu.dma_semaphore, #tpu.memory_space<semaphore_mem>>) attributes {dimension_semantics = [#tpu.dimension_semantics<core_parallel>, #tpu.dimension_semantics<subcore_parallel>], iteration_bounds = array<i64: 2, 16>, scalar_prefetch = 0 : i64, scratch_operands = 29 : i64, tpu.core_type = #tpu.core_type<sc_vector_subcore>, window_params = [{transform_indices = #map}, {transform_indices = #map}, {transform_indices = #map1}, {transform_indices = #map2}]} {
    %mul3A = arith.constant 2 : i32
    %mul3A_0 = arith.muli %arg1, %mul3A : i32
    %add3A = arith.addi %mul3A_0, %arg0 : i32
    %mul3A_1 = arith.constant 6400 : i32
    %mul3A_2 = arith.muli %arg1, %mul3A_1 : i32
    "tpu.region"() ({
      %run_scoped3A = tpu.sem_alloc : memref<!tpu.dma_semaphore, #tpu.memory_space<semaphore_mem>>
      %dma_start3A_75 = arith.constant 0 : i32
      %dma_start3A_76 = tpu.memref_slice %arg26[%mul3A_2, %dma_start3A_75] : memref<102400x8xf32, #tpu.memory_space<vmem_shared>> -> memref<6400x8xf32, #tpu.memory_space<vmem_shared>>
      %dma_start3A_77 = arith.constant 0 : i32
      %dma_start3A_78 = tpu.memref_slice %arg2[%mul3A_2, %dma_start3A_77] : memref<102400x8xf32, #tpu.memory_space<hbm>> -> memref<6400x8xf32, #tpu.memory_space<hbm>>
      tpu.enqueue_dma source(%dma_start3A_78 : memref<6400x8xf32, #tpu.memory_space<hbm>>) target(%dma_start3A_76 : memref<6400x8xf32, #tpu.memory_space<vmem_shared>>) target_semaphore(%run_scoped3A : memref<!tpu.dma_semaphore, #tpu.memory_space<semaphore_mem>>)
      %dma_wait3A = arith.constant 0 : i32
      %dma_wait3A_79 = tpu.memref_slice %arg26[%mul3A_2, %dma_wait3A] : memref<102400x8xf32, #tpu.memory_space<vmem_shared>> -> memref<6400x8xf32, #tpu.memory_space<vmem_shared>>
      %dma_wait3A_80 = arith.constant 0 : i32
      %dma_wait3A_81 = tpu.memref_slice %arg2[%mul3A_2, %dma_wait3A_80] : memref<102400x8xf32, #tpu.memory_space<hbm>> -> memref<6400x8xf32, #tpu.memory_space<hbm>>
      tpu.wait_dma2 semaphore(%run_scoped3A : memref<!tpu.dma_semaphore, #tpu.memory_space<semaphore_mem>>) src(%dma_wait3A_81 : memref<6400x8xf32, #tpu.memory_space<hbm>>) dst(%dma_wait3A_79 : memref<6400x8xf32, #tpu.memory_space<vmem_shared>>)
      tpu.yield
    }) : () -> ()
    "tpu.region"() ({
      %run_scoped3A = tpu.sem_alloc : memref<!tpu.dma_semaphore, #tpu.memory_space<semaphore_mem>>
      %dma_start3A_75 = arith.constant 0 : i32
      %dma_start3A_76 = tpu.memref_slice %arg27[%mul3A_2, %dma_start3A_75] : memref<102400x8xf32, #tpu.memory_space<vmem_shared>> -> memref<6400x8xf32, #tpu.memory_space<vmem_shared>>
      %dma_start3A_77 = arith.constant 0 : i32
      %dma_start3A_78 = tpu.memref_slice %arg3[%mul3A_2, %dma_start3A_77] : memref<102400x8xf32, #tpu.memory_space<hbm>> -> memref<6400x8xf32, #tpu.memory_space<hbm>>
      tpu.enqueue_dma source(%dma_start3A_78 : memref<6400x8xf32, #tpu.memory_space<hbm>>) target(%dma_start3A_76 : memref<6400x8xf32, #tpu.memory_space<vmem_shared>>) target_semaphore(%run_scoped3A : memref<!tpu.dma_semaphore, #tpu.memory_space<semaphore_mem>>)
      %dma_wait3A = arith.constant 0 : i32
      %dma_wait3A_79 = tpu.memref_slice %arg27[%mul3A_2, %dma_wait3A] : memref<102400x8xf32, #tpu.memory_space<vmem_shared>> -> memref<6400x8xf32, #tpu.memory_space<vmem_shared>>
      %dma_wait3A_80 = arith.constant 0 : i32
      %dma_wait3A_81 = tpu.memref_slice %arg3[%mul3A_2, %dma_wait3A_80] : memref<102400x8xf32, #tpu.memory_space<hbm>> -> memref<6400x8xf32, #tpu.memory_space<hbm>>
      tpu.wait_dma2 semaphore(%run_scoped3A : memref<!tpu.dma_semaphore, #tpu.memory_space<semaphore_mem>>) src(%dma_wait3A_81 : memref<6400x8xf32, #tpu.memory_space<hbm>>) dst(%dma_wait3A_79 : memref<6400x8xf32, #tpu.memory_space<vmem_shared>>)
      tpu.yield
    }) : () -> ()
    %barrier3A = arith.constant 0 : index
    tpu.barrier barrier_id(%barrier3A)
    %dma_start3A = arith.constant 0 : i32
    %dma_start3A_3 = arith.constant 0 : i32
    %dma_start3A_4 = arith.constant 0 : i32
    %dma_start3A_5 = tpu.memref_slice %arg4[%dma_start3A, %add3A, %dma_start3A_3, %dma_start3A_4] : memref<2x3125x2x512xi32, #tpu.memory_space<hbm>> -> memref<1x1x1x512xi32, #tpu.memory_space<hbm>>
    %dma_start3A_6 = tpu.memref_squeeze %dma_start3A_5 : memref<1x1x1x512xi32, #tpu.memory_space<hbm>> -> memref<512xi32, #tpu.memory_space<hbm>>
    %dma_start3A_7 = arith.constant 0 : i32
    %dma_start3A_8 = tpu.memref_slice %arg4[%dma_start3A, %add3A, %dma_start3A_3, %dma_start3A_7] : memref<2x3125x2x512xi32, #tpu.memory_space<hbm>> -> memref<1x1x1x512xi32, #tpu.memory_space<hbm>>
    %dma_start3A_9 = tpu.memref_squeeze %dma_start3A_8 : memref<1x1x1x512xi32, #tpu.memory_space<hbm>> -> memref<512xi32, #tpu.memory_space<hbm>>
    tpu.enqueue_dma source(%dma_start3A_9 : memref<512xi32, #tpu.memory_space<hbm>>) target(%arg6 : memref<512xi32, #tpu.memory_space<vmem>>) target_semaphore(%arg29 : memref<!tpu.dma_semaphore, #tpu.memory_space<semaphore_mem>>)
    %dma_start3A_10 = arith.constant 0 : i32
    %dma_start3A_11 = arith.constant 1 : i32
    %dma_start3A_12 = arith.constant 0 : i32
    %dma_start3A_13 = tpu.memref_slice %arg4[%dma_start3A_10, %add3A, %dma_start3A_11, %dma_start3A_12] : memref<2x3125x2x512xi32, #tpu.memory_space<hbm>> -> memref<1x1x1x512xi32, #tpu.memory_space<hbm>>
    %dma_start3A_14 = tpu.memref_squeeze %dma_start3A_13 : memref<1x1x1x512xi32, #tpu.memory_space<hbm>> -> memref<512xi32, #tpu.memory_space<hbm>>
    %dma_start3A_15 = arith.constant 0 : i32
    %dma_start3A_16 = tpu.memref_slice %arg4[%dma_start3A_10, %add3A, %dma_start3A_11, %dma_start3A_15] : memref<2x3125x2x512xi32, #tpu.memory_space<hbm>> -> memref<1x1x1x512xi32, #tpu.memory_space<hbm>>
    %dma_start3A_17 = tpu.memref_squeeze %dma_start3A_16 : memref<1x1x1x512xi32, #tpu.memory_space<hbm>> -> memref<512xi32, #tpu.memory_space<hbm>>
    tpu.enqueue_dma source(%dma_start3A_17 : memref<512xi32, #tpu.memory_space<hbm>>) target(%arg7 : memref<512xi32, #tpu.memory_space<vmem>>) target_semaphore(%arg29 : memref<!tpu.dma_semaphore, #tpu.memory_space<semaphore_mem>>)
    %dma_start3A_18 = arith.constant 1 : i32
    %dma_start3A_19 = arith.constant 0 : i32
    %dma_start3A_20 = arith.constant 0 : i32
    %dma_start3A_21 = tpu.memref_slice %arg4[%dma_start3A_18, %add3A, %dma_start3A_19, %dma_start3A_20] : memref<2x3125x2x512xi32, #tpu.memory_space<hbm>> -> memref<1x1x1x512xi32, #tpu.memory_space<hbm>>
    %dma_start3A_22 = tpu.memref_squeeze %dma_start3A_21 : memref<1x1x1x512xi32, #tpu.memory_space<hbm>> -> memref<512xi32, #tpu.memory_space<hbm>>
    %dma_start3A_23 = arith.constant 0 : i32
    %dma_start3A_24 = tpu.memref_slice %arg4[%dma_start3A_18, %add3A, %dma_start3A_19, %dma_start3A_23] : memref<2x3125x2x512xi32, #tpu.memory_space<hbm>> -> memref<1x1x1x512xi32, #tpu.memory_space<hbm>>
    %dma_start3A_25 = tpu.memref_squeeze %dma_start3A_24 : memref<1x1x1x512xi32, #tpu.memory_space<hbm>> -> memref<512xi32, #tpu.memory_space<hbm>>
    tpu.enqueue_dma source(%dma_start3A_25 : memref<512xi32, #tpu.memory_space<hbm>>) target(%arg8 : memref<512xi32, #tpu.memory_space<vmem>>) target_semaphore(%arg29 : memref<!tpu.dma_semaphore, #tpu.memory_space<semaphore_mem>>)
    %dma_start3A_26 = arith.constant 1 : i32
    %dma_start3A_27 = arith.constant 1 : i32
    %dma_start3A_28 = arith.constant 0 : i32
    %dma_start3A_29 = tpu.memref_slice %arg4[%dma_start3A_26, %add3A, %dma_start3A_27, %dma_start3A_28] : memref<2x3125x2x512xi32, #tpu.memory_space<hbm>> -> memref<1x1x1x512xi32, #tpu.memory_space<hbm>>
    %dma_start3A_30 = tpu.memref_squeeze %dma_start3A_29 : memref<1x1x1x512xi32, #tpu.memory_space<hbm>> -> memref<512xi32, #tpu.memory_space<hbm>>
    %dma_start3A_31 = arith.constant 0 : i32
    %dma_start3A_32 = tpu.memref_slice %arg4[%dma_start3A_26, %add3A, %dma_start3A_27, %dma_start3A_31] : memref<2x3125x2x512xi32, #tpu.memory_space<hbm>> -> memref<1x1x1x512xi32, #tpu.memory_space<hbm>>
    %dma_start3A_33 = tpu.memref_squeeze %dma_start3A_32 : memref<1x1x1x512xi32, #tpu.memory_space<hbm>> -> memref<512xi32, #tpu.memory_space<hbm>>
    tpu.enqueue_dma source(%dma_start3A_33 : memref<512xi32, #tpu.memory_space<hbm>>) target(%arg9 : memref<512xi32, #tpu.memory_space<vmem>>) target_semaphore(%arg29 : memref<!tpu.dma_semaphore, #tpu.memory_space<semaphore_mem>>)
    %add3A_34 = arith.constant 32 : i32
    %add3A_35 = arith.addi %add3A, %add3A_34 : i32
    %dma_start3A_36 = arith.constant 0 : i32
    %dma_start3A_37 = arith.constant 0 : i32
    %dma_start3A_38 = arith.constant 0 : i32
    %dma_start3A_39 = tpu.memref_slice %arg4[%dma_start3A_36, %add3A_35, %dma_start3A_37, %dma_start3A_38] : memref<2x3125x2x512xi32, #tpu.memory_space<hbm>> -> memref<1x1x1x512xi32, #tpu.memory_space<hbm>>
    %dma_start3A_40 = tpu.memref_squeeze %dma_start3A_39 : memref<1x1x1x512xi32, #tpu.memory_space<hbm>> -> memref<512xi32, #tpu.memory_space<hbm>>
    %dma_start3A_41 = arith.constant 0 : i32
    %dma_start3A_42 = tpu.memref_slice %arg4[%dma_start3A_36, %add3A_35, %dma_start3A_37, %dma_start3A_41] : memref<2x3125x2x512xi32, #tpu.memory_space<hbm>> -> memref<1x1x1x512xi32, #tpu.memory_space<hbm>>
    %dma_start3A_43 = tpu.memref_squeeze %dma_start3A_42 : memref<1x1x1x512xi32, #tpu.memory_space<hbm>> -> memref<512xi32, #tpu.memory_space<hbm>>
    tpu.enqueue_dma source(%dma_start3A_43 : memref<512xi32, #tpu.memory_space<hbm>>) target(%arg10 : memref<512xi32, #tpu.memory_space<vmem>>) target_semaphore(%arg30 : memref<!tpu.dma_semaphore, #tpu.memory_space<semaphore_mem>>)
    %dma_start3A_44 = arith.constant 0 : i32
    %dma_start3A_45 = arith.constant 1 : i32
    %dma_start3A_46 = arith.constant 0 : i32
    %dma_start3A_47 = tpu.memref_slice %arg4[%dma_start3A_44, %add3A_35, %dma_start3A_45, %dma_start3A_46] : memref<2x3125x2x512xi32, #tpu.memory_space<hbm>> -> memref<1x1x1x512xi32, #tpu.memory_space<hbm>>
    %dma_start3A_48 = tpu.memref_squeeze %dma_start3A_47 : memref<1x1x1x512xi32, #tpu.memory_space<hbm>> -> memref<512xi32, #tpu.memory_space<hbm>>
    %dma_start3A_49 = arith.constant 0 : i32
    %dma_start3A_50 = tpu.memref_slice %arg4[%dma_start3A_44, %add3A_35, %dma_start3A_45, %dma_start3A_49] : memref<2x3125x2x512xi32, #tpu.memory_space<hbm>> -> memref<1x1x1x512xi32, #tpu.memory_space<hbm>>
    %dma_start3A_51 = tpu.memref_squeeze %dma_start3A_50 : memref<1x1x1x512xi32, #tpu.memory_space<hbm>> -> memref<512xi32, #tpu.memory_space<hbm>>
    tpu.enqueue_dma source(%dma_start3A_51 : memref<512xi32, #tpu.memory_space<hbm>>) target(%arg11 : memref<512xi32, #tpu.memory_space<vmem>>) target_semaphore(%arg30 : memref<!tpu.dma_semaphore, #tpu.memory_space<semaphore_mem>>)
    %dma_start3A_52 = arith.constant 1 : i32
    %dma_start3A_53 = arith.constant 0 : i32
    %dma_start3A_54 = arith.constant 0 : i32
    %dma_start3A_55 = tpu.memref_slice %arg4[%dma_start3A_52, %add3A_35, %dma_start3A_53, %dma_start3A_54] : memref<2x3125x2x512xi32, #tpu.memory_space<hbm>> -> memref<1x1x1x512xi32, #tpu.memory_space<hbm>>
    %dma_start3A_56 = tpu.memref_squeeze %dma_start3A_55 : memref<1x1x1x512xi32, #tpu.memory_space<hbm>> -> memref<512xi32, #tpu.memory_space<hbm>>
    %dma_start3A_57 = arith.constant 0 : i32
    %dma_start3A_58 = tpu.memref_slice %arg4[%dma_start3A_52, %add3A_35, %dma_start3A_53, %dma_start3A_57] : memref<2x3125x2x512xi32, #tpu.memory_space<hbm>> -> memref<1x1x1x512xi32, #tpu.memory_space<hbm>>
    %dma_start3A_59 = tpu.memref_squeeze %dma_start3A_58 : memref<1x1x1x512xi32, #tpu.memory_space<hbm>> -> memref<512xi32, #tpu.memory_space<hbm>>
    tpu.enqueue_dma source(%dma_start3A_59 : memref<512xi32, #tpu.memory_space<hbm>>) target(%arg12 : memref<512xi32, #tpu.memory_space<vmem>>) target_semaphore(%arg30 : memref<!tpu.dma_semaphore, #tpu.memory_space<semaphore_mem>>)
    %dma_start3A_60 = arith.constant 1 : i32
    %dma_start3A_61 = arith.constant 1 : i32
    %dma_start3A_62 = arith.constant 0 : i32
    %dma_start3A_63 = tpu.memref_slice %arg4[%dma_start3A_60, %add3A_35, %dma_start3A_61, %dma_start3A_62] : memref<2x3125x2x512xi32, #tpu.memory_space<hbm>> -> memref<1x1x1x512xi32, #tpu.memory_space<hbm>>
    %dma_start3A_64 = tpu.memref_squeeze %dma_start3A_63 : memref<1x1x1x512xi32, #tpu.memory_space<hbm>> -> memref<512xi32, #tpu.memory_space<hbm>>
    %dma_start3A_65 = arith.constant 0 : i32
    %dma_start3A_66 = tpu.memref_slice %arg4[%dma_start3A_60, %add3A_35, %dma_start3A_61, %dma_start3A_65] : memref<2x3125x2x512xi32, #tpu.memory_space<hbm>> -> memref<1x1x1x512xi32, #tpu.memory_space<hbm>>
    %dma_start3A_67 = tpu.memref_squeeze %dma_start3A_66 : memref<1x1x1x512xi32, #tpu.memory_space<hbm>> -> memref<512xi32, #tpu.memory_space<hbm>>
    tpu.enqueue_dma source(%dma_start3A_67 : memref<512xi32, #tpu.memory_space<hbm>>) target(%arg13 : memref<512xi32, #tpu.memory_space<vmem>>) target_semaphore(%arg30 : memref<!tpu.dma_semaphore, #tpu.memory_space<semaphore_mem>>)
    %scan3A = arith.constant 0 : i32
    %scan3A_68 = arith.constant 0 : i32
    %scan3A_69 = arith.constant 25 : i32
    %scan3A_70 = arith.addi %scan3A_68, %scan3A_69 : i32
    %scan3A_71 = arith.constant 1 : i32
    %scan3A_72 = scf.for %scan3A_75 = %scan3A_68 to %scan3A_70 step %scan3A_71 iter_args(%scan3A_76 = %scan3A) -> (i32)  : i32 {
      %mul3A_77 = arith.constant 4 : i32
      %mul3A_78 = arith.muli %mul3A_77, %scan3A_75 : i32
      %add3A_79 = arith.constant 0 : i32
      %add3A_80 = arith.addi %mul3A_78, %add3A_79 : i32
      %mul3A_81 = arith.constant 32 : i32
      %mul3A_82 = arith.muli %mul3A_81, %add3A_80 : i32
      %add3A_83 = arith.addi %add3A, %mul3A_82 : i32
      %add3A_84 = arith.constant 64 : i32
      %add3A_85 = arith.addi %add3A_83, %add3A_84 : i32
      %lt3A = arith.constant 3125 : i32
      %lt3A_86 = arith.cmpi slt, %add3A_83, %lt3A : i32
      %convert_element_type3A = arith.extui %lt3A_86 : i1 to i32
      %cond3A = arith.constant 0 : i32
      %cond3A_87 = arith.cmpi ne, %convert_element_type3A, %cond3A : i32
      scf.if %cond3A_87 {
        %dma_wait3A = arith.constant 0 : i32
        %dma_wait3A_188 = arith.constant 0 : i32
        %dma_wait3A_189 = arith.constant 0 : i32
        %dma_wait3A_190 = tpu.memref_slice %arg4[%dma_wait3A, %add3A_83, %dma_wait3A_188, %dma_wait3A_189] : memref<2x3125x2x512xi32, #tpu.memory_space<hbm>> -> memref<1x1x1x512xi32, #tpu.memory_space<hbm>>
        %dma_wait3A_191 = tpu.memref_squeeze %dma_wait3A_190 : memref<1x1x1x512xi32, #tpu.memory_space<hbm>> -> memref<512xi32, #tpu.memory_space<hbm>>
        %dma_wait3A_192 = arith.constant 0 : i32
        %dma_wait3A_193 = tpu.memref_slice %arg4[%dma_wait3A, %add3A_83, %dma_wait3A_188, %dma_wait3A_192] : memref<2x3125x2x512xi32, #tpu.memory_space<hbm>> -> memref<1x1x1x512xi32, #tpu.memory_space<hbm>>
        %dma_wait3A_194 = tpu.memref_squeeze %dma_wait3A_193 : memref<1x1x1x512xi32, #tpu.memory_space<hbm>> -> memref<512xi32, #tpu.memory_space<hbm>>
        tpu.wait_dma2 semaphore(%arg29 : memref<!tpu.dma_semaphore, #tpu.memory_space<semaphore_mem>>) src(%dma_wait3A_194 : memref<512xi32, #tpu.memory_space<hbm>>) dst(%arg6 : memref<512xi32, #tpu.memory_space<vmem>>)
        %dma_wait3A_195 = arith.constant 0 : i32
        %dma_wait3A_196 = arith.constant 1 : i32
        %dma_wait3A_197 = arith.constant 0 : i32
        %dma_wait3A_198 = tpu.memref_slice %arg4[%dma_wait3A_195, %add3A_83, %dma_wait3A_196, %dma_wait3A_197] : memref<2x3125x2x512xi32, #tpu.memory_space<hbm>> -> memref<1x1x1x512xi32, #tpu.memory_space<hbm>>
        %dma_wait3A_199 = tpu.memref_squeeze %dma_wait3A_198 : memref<1x1x1x512xi32, #tpu.memory_space<hbm>> -> memref<512xi32, #tpu.memory_space<hbm>>
        %dma_wait3A_200 = arith.constant 0 : i32
        %dma_wait3A_201 = tpu.memref_slice %arg4[%dma_wait3A_195, %add3A_83, %dma_wait3A_196, %dma_wait3A_200] : memref<2x3125x2x512xi32, #tpu.memory_space<hbm>> -> memref<1x1x1x512xi32, #tpu.memory_space<hbm>>
        %dma_wait3A_202 = tpu.memref_squeeze %dma_wait3A_201 : memref<1x1x1x512xi32, #tpu.memory_space<hbm>> -> memref<512xi32, #tpu.memory_space<hbm>>
        tpu.wait_dma2 semaphore(%arg29 : memref<!tpu.dma_semaphore, #tpu.memory_space<semaphore_mem>>) src(%dma_wait3A_202 : memref<512xi32, #tpu.memory_space<hbm>>) dst(%arg7 : memref<512xi32, #tpu.memory_space<vmem>>)
        %dma_wait3A_203 = arith.constant 1 : i32
        %dma_wait3A_204 = arith.constant 0 : i32
        %dma_wait3A_205 = arith.constant 0 : i32
        %dma_wait3A_206 = tpu.memref_slice %arg4[%dma_wait3A_203, %add3A_83, %dma_wait3A_204, %dma_wait3A_205] : memref<2x3125x2x512xi32, #tpu.memory_space<hbm>> -> memref<1x1x1x512xi32, #tpu.memory_space<hbm>>
        %dma_wait3A_207 = tpu.memref_squeeze %dma_wait3A_206 : memref<1x1x1x512xi32, #tpu.memory_space<hbm>> -> memref<512xi32, #tpu.memory_space<hbm>>
        %dma_wait3A_208 = arith.constant 0 : i32
        %dma_wait3A_209 = tpu.memref_slice %arg4[%dma_wait3A_203, %add3A_83, %dma_wait3A_204, %dma_wait3A_208] : memref<2x3125x2x512xi32, #tpu.memory_space<hbm>> -> memref<1x1x1x512xi32, #tpu.memory_space<hbm>>
        %dma_wait3A_210 = tpu.memref_squeeze %dma_wait3A_209 : memref<1x1x1x512xi32, #tpu.memory_space<hbm>> -> memref<512xi32, #tpu.memory_space<hbm>>
        tpu.wait_dma2 semaphore(%arg29 : memref<!tpu.dma_semaphore, #tpu.memory_space<semaphore_mem>>) src(%dma_wait3A_210 : memref<512xi32, #tpu.memory_space<hbm>>) dst(%arg8 : memref<512xi32, #tpu.memory_space<vmem>>)
        %dma_wait3A_211 = arith.constant 1 : i32
        %dma_wait3A_212 = arith.constant 1 : i32
        %dma_wait3A_213 = arith.constant 0 : i32
        %dma_wait3A_214 = tpu.memref_slice %arg4[%dma_wait3A_211, %add3A_83, %dma_wait3A_212, %dma_wait3A_213] : memref<2x3125x2x512xi32, #tpu.memory_space<hbm>> -> memref<1x1x1x512xi32, #tpu.memory_space<hbm>>
        %dma_wait3A_215 = tpu.memref_squeeze %dma_wait3A_214 : memref<1x1x1x512xi32, #tpu.memory_space<hbm>> -> memref<512xi32, #tpu.memory_space<hbm>>
        %dma_wait3A_216 = arith.constant 0 : i32
        %dma_wait3A_217 = tpu.memref_slice %arg4[%dma_wait3A_211, %add3A_83, %dma_wait3A_212, %dma_wait3A_216] : memref<2x3125x2x512xi32, #tpu.memory_space<hbm>> -> memref<1x1x1x512xi32, #tpu.memory_space<hbm>>
        %dma_wait3A_218 = tpu.memref_squeeze %dma_wait3A_217 : memref<1x1x1x512xi32, #tpu.memory_space<hbm>> -> memref<512xi32, #tpu.memory_space<hbm>>
        tpu.wait_dma2 semaphore(%arg29 : memref<!tpu.dma_semaphore, #tpu.memory_space<semaphore_mem>>) src(%dma_wait3A_218 : memref<512xi32, #tpu.memory_space<hbm>>) dst(%arg9 : memref<512xi32, #tpu.memory_space<vmem>>)
        %dma_start3A_219 = arith.constant 0 : i32
        %dma_start3A_220 = arith.constant 0 : i32
        %dma_start3A_221 = tpu.memref_slice %arg26[%dma_start3A_219, %dma_start3A_220] : memref<102400x8xf32, #tpu.memory_space<vmem_shared>> -> memref<102400x8xf32, #tpu.memory_space<vmem_shared>>
        tpu.enqueue_indirect_dma source(%dma_start3A_221 : memref<102400x8xf32, #tpu.memory_space<vmem_shared>>) target(%arg22 : memref<512x8xf32, #tpu.memory_space<vmem>>) offsets(%arg6 : memref<512xi32, #tpu.memory_space<vmem>>) semaphore(%arg28 : memref<!tpu.dma_semaphore, #tpu.memory_space<semaphore_mem>>)
        %dma_start3A_222 = arith.constant 0 : i32
        %dma_start3A_223 = arith.constant 0 : i32
        %dma_start3A_224 = tpu.memref_slice %arg26[%dma_start3A_222, %dma_start3A_223] : memref<102400x8xf32, #tpu.memory_space<vmem_shared>> -> memref<102400x8xf32, #tpu.memory_space<vmem_shared>>
        tpu.enqueue_indirect_dma source(%dma_start3A_224 : memref<102400x8xf32, #tpu.memory_space<vmem_shared>>) target(%arg23 : memref<512x8xf32, #tpu.memory_space<vmem>>) offsets(%arg7 : memref<512xi32, #tpu.memory_space<vmem>>) semaphore(%arg28 : memref<!tpu.dma_semaphore, #tpu.memory_space<semaphore_mem>>)
        %dma_wait3A_225 = arith.constant 0 : i32
        %dma_wait3A_226 = arith.constant 0 : i32
        %dma_wait3A_227 = tpu.memref_slice %arg26[%dma_wait3A_225, %dma_wait3A_226] : memref<102400x8xf32, #tpu.memory_space<vmem_shared>> -> memref<102400x8xf32, #tpu.memory_space<vmem_shared>>
        tpu.wait_indirect_dma semaphore(%arg28 : memref<!tpu.dma_semaphore, #tpu.memory_space<semaphore_mem>>) src(%dma_wait3A_227 : memref<102400x8xf32, #tpu.memory_space<vmem_shared>>) dst(%arg22 : memref<512x8xf32, #tpu.memory_space<vmem>>)
        %dma_start3A_228 = arith.constant 0 : i32
        %dma_start3A_229 = arith.constant 0 : i32
        %dma_start3A_230 = tpu.memref_slice %arg27[%dma_start3A_228, %dma_start3A_229] : memref<102400x8xf32, #tpu.memory_space<vmem_shared>> -> memref<102400x8xf32, #tpu.memory_space<vmem_shared>>
        tpu.enqueue_indirect_dma source(%arg22 : memref<512x8xf32, #tpu.memory_space<vmem>>) target(%dma_start3A_230 : memref<102400x8xf32, #tpu.memory_space<vmem_shared>>) offsets(%arg8 : memref<512xi32, #tpu.memory_space<vmem>>) semaphore(%arg33 : memref<!tpu.dma_semaphore, #tpu.memory_space<semaphore_mem>>) {add = true}
        %dma_wait3A_231 = arith.constant 0 : i32
        %dma_wait3A_232 = arith.constant 0 : i32
        %dma_wait3A_233 = tpu.memref_slice %arg26[%dma_wait3A_231, %dma_wait3A_232] : memref<102400x8xf32, #tpu.memory_space<vmem_shared>> -> memref<102400x8xf32, #tpu.memory_space<vmem_shared>>
        tpu.wait_indirect_dma semaphore(%arg28 : memref<!tpu.dma_semaphore, #tpu.memory_space<semaphore_mem>>) src(%dma_wait3A_233 : memref<102400x8xf32, #tpu.memory_space<vmem_shared>>) dst(%arg23 : memref<512x8xf32, #tpu.memory_space<vmem>>)
        %dma_start3A_234 = arith.constant 0 : i32
        %dma_start3A_235 = arith.constant 0 : i32
        %dma_start3A_236 = tpu.memref_slice %arg27[%dma_start3A_234, %dma_start3A_235] : memref<102400x8xf32, #tpu.memory_space<vmem_shared>> -> memref<102400x8xf32, #tpu.memory_space<vmem_shared>>
        tpu.enqueue_indirect_dma source(%arg23 : memref<512x8xf32, #tpu.memory_space<vmem>>) target(%dma_start3A_236 : memref<102400x8xf32, #tpu.memory_space<vmem_shared>>) offsets(%arg9 : memref<512xi32, #tpu.memory_space<vmem>>) semaphore(%arg33 : memref<!tpu.dma_semaphore, #tpu.memory_space<semaphore_mem>>) {add = true}
      } else {
      }
      %gt3A = arith.constant 0 : i32
      %gt3A_88 = arith.cmpi sgt, %add3A_80, %gt3A : i32
      %sub3A = arith.constant 32 : i32
      %sub3A_89 = arith.subi %add3A_83, %sub3A : i32
      %lt3A_90 = arith.constant 3125 : i32
      %lt3A_91 = arith.cmpi slt, %sub3A_89, %lt3A_90 : i32
      %and3A = arith.andi %gt3A_88, %lt3A_91 : i1
      %convert_element_type3A_92 = arith.extui %and3A : i1 to i32
      %cond3A_93 = arith.constant 0 : i32
      %cond3A_94 = arith.cmpi ne, %convert_element_type3A_92, %cond3A_93 : i32
      scf.if %cond3A_94 {
        %dma_wait3A = arith.constant 0 : i32
        %dma_wait3A_188 = arith.constant 0 : i32
        %dma_wait3A_189 = tpu.memref_slice %arg27[%dma_wait3A, %dma_wait3A_188] : memref<102400x8xf32, #tpu.memory_space<vmem_shared>> -> memref<102400x8xf32, #tpu.memory_space<vmem_shared>>
        tpu.wait_indirect_dma semaphore(%arg34 : memref<!tpu.dma_semaphore, #tpu.memory_space<semaphore_mem>>) src(%arg24 : memref<512x8xf32, #tpu.memory_space<vmem>>) dst(%dma_wait3A_189 : memref<102400x8xf32, #tpu.memory_space<vmem_shared>>)
        %dma_wait3A_190 = arith.constant 0 : i32
        %dma_wait3A_191 = arith.constant 0 : i32
        %dma_wait3A_192 = tpu.memref_slice %arg27[%dma_wait3A_190, %dma_wait3A_191] : memref<102400x8xf32, #tpu.memory_space<vmem_shared>> -> memref<102400x8xf32, #tpu.memory_space<vmem_shared>>
        tpu.wait_indirect_dma semaphore(%arg34 : memref<!tpu.dma_semaphore, #tpu.memory_space<semaphore_mem>>) src(%arg25 : memref<512x8xf32, #tpu.memory_space<vmem>>) dst(%dma_wait3A_192 : memref<102400x8xf32, #tpu.memory_space<vmem_shared>>)
      } else {
      }
      %lt3A_95 = arith.constant 3125 : i32
      %lt3A_96 = arith.cmpi slt, %add3A_85, %lt3A_95 : i32
      %convert_element_type3A_97 = arith.extui %lt3A_96 : i1 to i32
      %cond3A_98 = arith.constant 0 : i32
      %cond3A_99 = arith.cmpi ne, %convert_element_type3A_97, %cond3A_98 : i32
      scf.if %cond3A_99 {
        %dma_start3A_188 = arith.constant 0 : i32
        %dma_start3A_189 = arith.constant 0 : i32
        %dma_start3A_190 = arith.constant 0 : i32
        %dma_start3A_191 = tpu.memref_slice %arg4[%dma_start3A_188, %add3A_85, %dma_start3A_189, %dma_start3A_190] : memref<2x3125x2x512xi32, #tpu.memory_space<hbm>> -> memref<1x1x1x512xi32, #tpu.memory_space<hbm>>
        %dma_start3A_192 = tpu.memref_squeeze %dma_start3A_191 : memref<1x1x1x512xi32, #tpu.memory_space<hbm>> -> memref<512xi32, #tpu.memory_space<hbm>>
        %dma_start3A_193 = arith.constant 0 : i32
        %dma_start3A_194 = tpu.memref_slice %arg4[%dma_start3A_188, %add3A_85, %dma_start3A_189, %dma_start3A_193] : memref<2x3125x2x512xi32, #tpu.memory_space<hbm>> -> memref<1x1x1x512xi32, #tpu.memory_space<hbm>>
        %dma_start3A_195 = tpu.memref_squeeze %dma_start3A_194 : memref<1x1x1x512xi32, #tpu.memory_space<hbm>> -> memref<512xi32, #tpu.memory_space<hbm>>
        tpu.enqueue_dma source(%dma_start3A_195 : memref<512xi32, #tpu.memory_space<hbm>>) target(%arg14 : memref<512xi32, #tpu.memory_space<vmem>>) target_semaphore(%arg31 : memref<!tpu.dma_semaphore, #tpu.memory_space<semaphore_mem>>)
        %dma_start3A_196 = arith.constant 0 : i32
        %dma_start3A_197 = arith.constant 1 : i32
        %dma_start3A_198 = arith.constant 0 : i32
        %dma_start3A_199 = tpu.memref_slice %arg4[%dma_start3A_196, %add3A_85, %dma_start3A_197, %dma_start3A_198] : memref<2x3125x2x512xi32, #tpu.memory_space<hbm>> -> memref<1x1x1x512xi32, #tpu.memory_space<hbm>>
        %dma_start3A_200 = tpu.memref_squeeze %dma_start3A_199 : memref<1x1x1x512xi32, #tpu.memory_space<hbm>> -> memref<512xi32, #tpu.memory_space<hbm>>
        %dma_start3A_201 = arith.constant 0 : i32
        %dma_start3A_202 = tpu.memref_slice %arg4[%dma_start3A_196, %add3A_85, %dma_start3A_197, %dma_start3A_201] : memref<2x3125x2x512xi32, #tpu.memory_space<hbm>> -> memref<1x1x1x512xi32, #tpu.memory_space<hbm>>
        %dma_start3A_203 = tpu.memref_squeeze %dma_start3A_202 : memref<1x1x1x512xi32, #tpu.memory_space<hbm>> -> memref<512xi32, #tpu.memory_space<hbm>>
        tpu.enqueue_dma source(%dma_start3A_203 : memref<512xi32, #tpu.memory_space<hbm>>) target(%arg15 : memref<512xi32, #tpu.memory_space<vmem>>) target_semaphore(%arg31 : memref<!tpu.dma_semaphore, #tpu.memory_space<semaphore_mem>>)
        %dma_start3A_204 = arith.constant 1 : i32
        %dma_start3A_205 = arith.constant 0 : i32
        %dma_start3A_206 = arith.constant 0 : i32
        %dma_start3A_207 = tpu.memref_slice %arg4[%dma_start3A_204, %add3A_85, %dma_start3A_205, %dma_start3A_206] : memref<2x3125x2x512xi32, #tpu.memory_space<hbm>> -> memref<1x1x1x512xi32, #tpu.memory_space<hbm>>
        %dma_start3A_208 = tpu.memref_squeeze %dma_start3A_207 : memref<1x1x1x512xi32, #tpu.memory_space<hbm>> -> memref<512xi32, #tpu.memory_space<hbm>>
        %dma_start3A_209 = arith.constant 0 : i32
        %dma_start3A_210 = tpu.memref_slice %arg4[%dma_start3A_204, %add3A_85, %dma_start3A_205, %dma_start3A_209] : memref<2x3125x2x512xi32, #tpu.memory_space<hbm>> -> memref<1x1x1x512xi32, #tpu.memory_space<hbm>>
        %dma_start3A_211 = tpu.memref_squeeze %dma_start3A_210 : memref<1x1x1x512xi32, #tpu.memory_space<hbm>> -> memref<512xi32, #tpu.memory_space<hbm>>
        tpu.enqueue_dma source(%dma_start3A_211 : memref<512xi32, #tpu.memory_space<hbm>>) target(%arg16 : memref<512xi32, #tpu.memory_space<vmem>>) target_semaphore(%arg31 : memref<!tpu.dma_semaphore, #tpu.memory_space<semaphore_mem>>)
        %dma_start3A_212 = arith.constant 1 : i32
        %dma_start3A_213 = arith.constant 1 : i32
        %dma_start3A_214 = arith.constant 0 : i32
        %dma_start3A_215 = tpu.memref_slice %arg4[%dma_start3A_212, %add3A_85, %dma_start3A_213, %dma_start3A_214] : memref<2x3125x2x512xi32, #tpu.memory_space<hbm>> -> memref<1x1x1x512xi32, #tpu.memory_space<hbm>>
        %dma_start3A_216 = tpu.memref_squeeze %dma_start3A_215 : memref<1x1x1x512xi32, #tpu.memory_space<hbm>> -> memref<512xi32, #tpu.memory_space<hbm>>
        %dma_start3A_217 = arith.constant 0 : i32
        %dma_start3A_218 = tpu.memref_slice %arg4[%dma_start3A_212, %add3A_85, %dma_start3A_213, %dma_start3A_217] : memref<2x3125x2x512xi32, #tpu.memory_space<hbm>> -> memref<1x1x1x512xi32, #tpu.memory_space<hbm>>
        %dma_start3A_219 = tpu.memref_squeeze %dma_start3A_218 : memref<1x1x1x512xi32, #tpu.memory_space<hbm>> -> memref<512xi32, #tpu.memory_space<hbm>>
        tpu.enqueue_dma source(%dma_start3A_219 : memref<512xi32, #tpu.memory_space<hbm>>) target(%arg17 : memref<512xi32, #tpu.memory_space<vmem>>) target_semaphore(%arg31 : memref<!tpu.dma_semaphore, #tpu.memory_space<semaphore_mem>>)
      } else {
      }
      %mul3A_100 = arith.constant 4 : i32
      %mul3A_101 = arith.muli %mul3A_100, %scan3A_75 : i32
      %add3A_102 = arith.constant 1 : i32
      %add3A_103 = arith.addi %mul3A_101, %add3A_102 : i32
      %mul3A_104 = arith.constant 32 : i32
      %mul3A_105 = arith.muli %mul3A_104, %add3A_103 : i32
      %add3A_106 = arith.addi %add3A, %mul3A_105 : i32
      %add3A_107 = arith.constant 64 : i32
      %add3A_108 = arith.addi %add3A_106, %add3A_107 : i32
      %lt3A_109 = arith.constant 3125 : i32
      %lt3A_110 = arith.cmpi slt, %add3A_106, %lt3A_109 : i32
      %convert_element_type3A_111 = arith.extui %lt3A_110 : i1 to i32
      %cond3A_112 = arith.constant 0 : i32
      %cond3A_113 = arith.cmpi ne, %convert_element_type3A_111, %cond3A_112 : i32
      scf.if %cond3A_113 {
        %dma_wait3A = arith.constant 0 : i32
        %dma_wait3A_188 = arith.constant 0 : i32
        %dma_wait3A_189 = arith.constant 0 : i32
        %dma_wait3A_190 = tpu.memref_slice %arg4[%dma_wait3A, %add3A_106, %dma_wait3A_188, %dma_wait3A_189] : memref<2x3125x2x512xi32, #tpu.memory_space<hbm>> -> memref<1x1x1x512xi32, #tpu.memory_space<hbm>>
        %dma_wait3A_191 = tpu.memref_squeeze %dma_wait3A_190 : memref<1x1x1x512xi32, #tpu.memory_space<hbm>> -> memref<512xi32, #tpu.memory_space<hbm>>
        %dma_wait3A_192 = arith.constant 0 : i32
        %dma_wait3A_193 = tpu.memref_slice %arg4[%dma_wait3A, %add3A_106, %dma_wait3A_188, %dma_wait3A_192] : memref<2x3125x2x512xi32, #tpu.memory_space<hbm>> -> memref<1x1x1x512xi32, #tpu.memory_space<hbm>>
        %dma_wait3A_194 = tpu.memref_squeeze %dma_wait3A_193 : memref<1x1x1x512xi32, #tpu.memory_space<hbm>> -> memref<512xi32, #tpu.memory_space<hbm>>
        tpu.wait_dma2 semaphore(%arg30 : memref<!tpu.dma_semaphore, #tpu.memory_space<semaphore_mem>>) src(%dma_wait3A_194 : memref<512xi32, #tpu.memory_space<hbm>>) dst(%arg10 : memref<512xi32, #tpu.memory_space<vmem>>)
        %dma_wait3A_195 = arith.constant 0 : i32
        %dma_wait3A_196 = arith.constant 1 : i32
        %dma_wait3A_197 = arith.constant 0 : i32
        %dma_wait3A_198 = tpu.memref_slice %arg4[%dma_wait3A_195, %add3A_106, %dma_wait3A_196, %dma_wait3A_197] : memref<2x3125x2x512xi32, #tpu.memory_space<hbm>> -> memref<1x1x1x512xi32, #tpu.memory_space<hbm>>
        %dma_wait3A_199 = tpu.memref_squeeze %dma_wait3A_198 : memref<1x1x1x512xi32, #tpu.memory_space<hbm>> -> memref<512xi32, #tpu.memory_space<hbm>>
        %dma_wait3A_200 = arith.constant 0 : i32
        %dma_wait3A_201 = tpu.memref_slice %arg4[%dma_wait3A_195, %add3A_106, %dma_wait3A_196, %dma_wait3A_200] : memref<2x3125x2x512xi32, #tpu.memory_space<hbm>> -> memref<1x1x1x512xi32, #tpu.memory_space<hbm>>
        %dma_wait3A_202 = tpu.memref_squeeze %dma_wait3A_201 : memref<1x1x1x512xi32, #tpu.memory_space<hbm>> -> memref<512xi32, #tpu.memory_space<hbm>>
        tpu.wait_dma2 semaphore(%arg30 : memref<!tpu.dma_semaphore, #tpu.memory_space<semaphore_mem>>) src(%dma_wait3A_202 : memref<512xi32, #tpu.memory_space<hbm>>) dst(%arg11 : memref<512xi32, #tpu.memory_space<vmem>>)
        %dma_wait3A_203 = arith.constant 1 : i32
        %dma_wait3A_204 = arith.constant 0 : i32
        %dma_wait3A_205 = arith.constant 0 : i32
        %dma_wait3A_206 = tpu.memref_slice %arg4[%dma_wait3A_203, %add3A_106, %dma_wait3A_204, %dma_wait3A_205] : memref<2x3125x2x512xi32, #tpu.memory_space<hbm>> -> memref<1x1x1x512xi32, #tpu.memory_space<hbm>>
        %dma_wait3A_207 = tpu.memref_squeeze %dma_wait3A_206 : memref<1x1x1x512xi32, #tpu.memory_space<hbm>> -> memref<512xi32, #tpu.memory_space<hbm>>
        %dma_wait3A_208 = arith.constant 0 : i32
        %dma_wait3A_209 = tpu.memref_slice %arg4[%dma_wait3A_203, %add3A_106, %dma_wait3A_204, %dma_wait3A_208] : memref<2x3125x2x512xi32, #tpu.memory_space<hbm>> -> memref<1x1x1x512xi32, #tpu.memory_space<hbm>>
        %dma_wait3A_210 = tpu.memref_squeeze %dma_wait3A_209 : memref<1x1x1x512xi32, #tpu.memory_space<hbm>> -> memref<512xi32, #tpu.memory_space<hbm>>
        tpu.wait_dma2 semaphore(%arg30 : memref<!tpu.dma_semaphore, #tpu.memory_space<semaphore_mem>>) src(%dma_wait3A_210 : memref<512xi32, #tpu.memory_space<hbm>>) dst(%arg12 : memref<512xi32, #tpu.memory_space<vmem>>)
        %dma_wait3A_211 = arith.constant 1 : i32
        %dma_wait3A_212 = arith.constant 1 : i32
        %dma_wait3A_213 = arith.constant 0 : i32
        %dma_wait3A_214 = tpu.memref_slice %arg4[%dma_wait3A_211, %add3A_106, %dma_wait3A_212, %dma_wait3A_213] : memref<2x3125x2x512xi32, #tpu.memory_space<hbm>> -> memref<1x1x1x512xi32, #tpu.memory_space<hbm>>
        %dma_wait3A_215 = tpu.memref_squeeze %dma_wait3A_214 : memref<1x1x1x512xi32, #tpu.memory_space<hbm>> -> memref<512xi32, #tpu.memory_space<hbm>>
        %dma_wait3A_216 = arith.constant 0 : i32
        %dma_wait3A_217 = tpu.memref_slice %arg4[%dma_wait3A_211, %add3A_106, %dma_wait3A_212, %dma_wait3A_216] : memref<2x3125x2x512xi32, #tpu.memory_space<hbm>> -> memref<1x1x1x512xi32, #tpu.memory_space<hbm>>
        %dma_wait3A_218 = tpu.memref_squeeze %dma_wait3A_217 : memref<1x1x1x512xi32, #tpu.memory_space<hbm>> -> memref<512xi32, #tpu.memory_space<hbm>>
        tpu.wait_dma2 semaphore(%arg30 : memref<!tpu.dma_semaphore, #tpu.memory_space<semaphore_mem>>) src(%dma_wait3A_218 : memref<512xi32, #tpu.memory_space<hbm>>) dst(%arg13 : memref<512xi32, #tpu.memory_space<vmem>>)
        %dma_start3A_219 = arith.constant 0 : i32
        %dma_start3A_220 = arith.constant 0 : i32
        %dma_start3A_221 = tpu.memref_slice %arg26[%dma_start3A_219, %dma_start3A_220] : memref<102400x8xf32, #tpu.memory_space<vmem_shared>> -> memref<102400x8xf32, #tpu.memory_space<vmem_shared>>
        tpu.enqueue_indirect_dma source(%dma_start3A_221 : memref<102400x8xf32, #tpu.memory_space<vmem_shared>>) target(%arg24 : memref<512x8xf32, #tpu.memory_space<vmem>>) offsets(%arg10 : memref<512xi32, #tpu.memory_space<vmem>>) semaphore(%arg28 : memref<!tpu.dma_semaphore, #tpu.memory_space<semaphore_mem>>)
        %dma_start3A_222 = arith.constant 0 : i32
        %dma_start3A_223 = arith.constant 0 : i32
        %dma_start3A_224 = tpu.memref_slice %arg26[%dma_start3A_222, %dma_start3A_223] : memref<102400x8xf32, #tpu.memory_space<vmem_shared>> -> memref<102400x8xf32, #tpu.memory_space<vmem_shared>>
        tpu.enqueue_indirect_dma source(%dma_start3A_224 : memref<102400x8xf32, #tpu.memory_space<vmem_shared>>) target(%arg25 : memref<512x8xf32, #tpu.memory_space<vmem>>) offsets(%arg11 : memref<512xi32, #tpu.memory_space<vmem>>) semaphore(%arg28 : memref<!tpu.dma_semaphore, #tpu.memory_space<semaphore_mem>>)
        %dma_wait3A_225 = arith.constant 0 : i32
        %dma_wait3A_226 = arith.constant 0 : i32
        %dma_wait3A_227 = tpu.memref_slice %arg26[%dma_wait3A_225, %dma_wait3A_226] : memref<102400x8xf32, #tpu.memory_space<vmem_shared>> -> memref<102400x8xf32, #tpu.memory_space<vmem_shared>>
        tpu.wait_indirect_dma semaphore(%arg28 : memref<!tpu.dma_semaphore, #tpu.memory_space<semaphore_mem>>) src(%dma_wait3A_227 : memref<102400x8xf32, #tpu.memory_space<vmem_shared>>) dst(%arg24 : memref<512x8xf32, #tpu.memory_space<vmem>>)
        %dma_start3A_228 = arith.constant 0 : i32
        %dma_start3A_229 = arith.constant 0 : i32
        %dma_start3A_230 = tpu.memref_slice %arg27[%dma_start3A_228, %dma_start3A_229] : memref<102400x8xf32, #tpu.memory_space<vmem_shared>> -> memref<102400x8xf32, #tpu.memory_space<vmem_shared>>
        tpu.enqueue_indirect_dma source(%arg24 : memref<512x8xf32, #tpu.memory_space<vmem>>) target(%dma_start3A_230 : memref<102400x8xf32, #tpu.memory_space<vmem_shared>>) offsets(%arg12 : memref<512xi32, #tpu.memory_space<vmem>>) semaphore(%arg34 : memref<!tpu.dma_semaphore, #tpu.memory_space<semaphore_mem>>) {add = true}
        %dma_wait3A_231 = arith.constant 0 : i32
        %dma_wait3A_232 = arith.constant 0 : i32
        %dma_wait3A_233 = tpu.memref_slice %arg26[%dma_wait3A_231, %dma_wait3A_232] : memref<102400x8xf32, #tpu.memory_space<vmem_shared>> -> memref<102400x8xf32, #tpu.memory_space<vmem_shared>>
        tpu.wait_indirect_dma semaphore(%arg28 : memref<!tpu.dma_semaphore, #tpu.memory_space<semaphore_mem>>) src(%dma_wait3A_233 : memref<102400x8xf32, #tpu.memory_space<vmem_shared>>) dst(%arg25 : memref<512x8xf32, #tpu.memory_space<vmem>>)
        %dma_start3A_234 = arith.constant 0 : i32
        %dma_start3A_235 = arith.constant 0 : i32
        %dma_start3A_236 = tpu.memref_slice %arg27[%dma_start3A_234, %dma_start3A_235] : memref<102400x8xf32, #tpu.memory_space<vmem_shared>> -> memref<102400x8xf32, #tpu.memory_space<vmem_shared>>
        tpu.enqueue_indirect_dma source(%arg25 : memref<512x8xf32, #tpu.memory_space<vmem>>) target(%dma_start3A_236 : memref<102400x8xf32, #tpu.memory_space<vmem_shared>>) offsets(%arg13 : memref<512xi32, #tpu.memory_space<vmem>>) semaphore(%arg34 : memref<!tpu.dma_semaphore, #tpu.memory_space<semaphore_mem>>) {add = true}
      } else {
      }
      %gt3A_114 = arith.constant 0 : i32
      %gt3A_115 = arith.cmpi sgt, %add3A_103, %gt3A_114 : i32
      %sub3A_116 = arith.constant 32 : i32
      %sub3A_117 = arith.subi %add3A_106, %sub3A_116 : i32
      %lt3A_118 = arith.constant 3125 : i32
      %lt3A_119 = arith.cmpi slt, %sub3A_117, %lt3A_118 : i32
      %and3A_120 = arith.andi %gt3A_115, %lt3A_119 : i1
      %convert_element_type3A_121 = arith.extui %and3A_120 : i1 to i32
      %cond3A_122 = arith.constant 0 : i32
      %cond3A_123 = arith.cmpi ne, %convert_element_type3A_121, %cond3A_122 : i32
      scf.if %cond3A_123 {
        %dma_wait3A = arith.constant 0 : i32
        %dma_wait3A_188 = arith.constant 0 : i32
        %dma_wait3A_189 = tpu.memref_slice %arg27[%dma_wait3A, %dma_wait3A_188] : memref<102400x8xf32, #tpu.memory_space<vmem_shared>> -> memref<102400x8xf32, #tpu.memory_space<vmem_shared>>
        tpu.wait_indirect_dma semaphore(%arg33 : memref<!tpu.dma_semaphore, #tpu.memory_space<semaphore_mem>>) src(%arg22 : memref<512x8xf32, #tpu.memory_space<vmem>>) dst(%dma_wait3A_189 : memref<102400x8xf32, #tpu.memory_space<vmem_shared>>)
        %dma_wait3A_190 = arith.constant 0 : i32
        %dma_wait3A_191 = arith.constant 0 : i32
        %dma_wait3A_192 = tpu.memref_slice %arg27[%dma_wait3A_190, %dma_wait3A_191] : memref<102400x8xf32, #tpu.memory_space<vmem_shared>> -> memref<102400x8xf32, #tpu.memory_space<vmem_shared>>
        tpu.wait_indirect_dma semaphore(%arg33 : memref<!tpu.dma_semaphore, #tpu.memory_space<semaphore_mem>>) src(%arg23 : memref<512x8xf32, #tpu.memory_space<vmem>>) dst(%dma_wait3A_192 : memref<102400x8xf32, #tpu.memory_space<vmem_shared>>)
      } else {
      }
      %lt3A_124 = arith.constant 3125 : i32
      %lt3A_125 = arith.cmpi slt, %add3A_108, %lt3A_124 : i32
      %convert_element_type3A_126 = arith.extui %lt3A_125 : i1 to i32
      %cond3A_127 = arith.constant 0 : i32
      %cond3A_128 = arith.cmpi ne, %convert_element_type3A_126, %cond3A_127 : i32
      scf.if %cond3A_128 {
        %dma_start3A_188 = arith.constant 0 : i32
        %dma_start3A_189 = arith.constant 0 : i32
        %dma_start3A_190 = arith.constant 0 : i32
        %dma_start3A_191 = tpu.memref_slice %arg4[%dma_start3A_188, %add3A_108, %dma_start3A_189, %dma_start3A_190] : memref<2x3125x2x512xi32, #tpu.memory_space<hbm>> -> memref<1x1x1x512xi32, #tpu.memory_space<hbm>>
        %dma_start3A_192 = tpu.memref_squeeze %dma_start3A_191 : memref<1x1x1x512xi32, #tpu.memory_space<hbm>> -> memref<512xi32, #tpu.memory_space<hbm>>
        %dma_start3A_193 = arith.constant 0 : i32
        %dma_start3A_194 = tpu.memref_slice %arg4[%dma_start3A_188, %add3A_108, %dma_start3A_189, %dma_start3A_193] : memref<2x3125x2x512xi32, #tpu.memory_space<hbm>> -> memref<1x1x1x512xi32, #tpu.memory_space<hbm>>
        %dma_start3A_195 = tpu.memref_squeeze %dma_start3A_194 : memref<1x1x1x512xi32, #tpu.memory_space<hbm>> -> memref<512xi32, #tpu.memory_space<hbm>>
        tpu.enqueue_dma source(%dma_start3A_195 : memref<512xi32, #tpu.memory_space<hbm>>) target(%arg18 : memref<512xi32, #tpu.memory_space<vmem>>) target_semaphore(%arg32 : memref<!tpu.dma_semaphore, #tpu.memory_space<semaphore_mem>>)
        %dma_start3A_196 = arith.constant 0 : i32
        %dma_start3A_197 = arith.constant 1 : i32
        %dma_start3A_198 = arith.constant 0 : i32
        %dma_start3A_199 = tpu.memref_slice %arg4[%dma_start3A_196, %add3A_108, %dma_start3A_197, %dma_start3A_198] : memref<2x3125x2x512xi32, #tpu.memory_space<hbm>> -> memref<1x1x1x512xi32, #tpu.memory_space<hbm>>
        %dma_start3A_200 = tpu.memref_squeeze %dma_start3A_199 : memref<1x1x1x512xi32, #tpu.memory_space<hbm>> -> memref<512xi32, #tpu.memory_space<hbm>>
        %dma_start3A_201 = arith.constant 0 : i32
        %dma_start3A_202 = tpu.memref_slice %arg4[%dma_start3A_196, %add3A_108, %dma_start3A_197, %dma_start3A_201] : memref<2x3125x2x512xi32, #tpu.memory_space<hbm>> -> memref<1x1x1x512xi32, #tpu.memory_space<hbm>>
        %dma_start3A_203 = tpu.memref_squeeze %dma_start3A_202 : memref<1x1x1x512xi32, #tpu.memory_space<hbm>> -> memref<512xi32, #tpu.memory_space<hbm>>
        tpu.enqueue_dma source(%dma_start3A_203 : memref<512xi32, #tpu.memory_space<hbm>>) target(%arg19 : memref<512xi32, #tpu.memory_space<vmem>>) target_semaphore(%arg32 : memref<!tpu.dma_semaphore, #tpu.memory_space<semaphore_mem>>)
        %dma_start3A_204 = arith.constant 1 : i32
        %dma_start3A_205 = arith.constant 0 : i32
        %dma_start3A_206 = arith.constant 0 : i32
        %dma_start3A_207 = tpu.memref_slice %arg4[%dma_start3A_204, %add3A_108, %dma_start3A_205, %dma_start3A_206] : memref<2x3125x2x512xi32, #tpu.memory_space<hbm>> -> memref<1x1x1x512xi32, #tpu.memory_space<hbm>>
        %dma_start3A_208 = tpu.memref_squeeze %dma_start3A_207 : memref<1x1x1x512xi32, #tpu.memory_space<hbm>> -> memref<512xi32, #tpu.memory_space<hbm>>
        %dma_start3A_209 = arith.constant 0 : i32
        %dma_start3A_210 = tpu.memref_slice %arg4[%dma_start3A_204, %add3A_108, %dma_start3A_205, %dma_start3A_209] : memref<2x3125x2x512xi32, #tpu.memory_space<hbm>> -> memref<1x1x1x512xi32, #tpu.memory_space<hbm>>
        %dma_start3A_211 = tpu.memref_squeeze %dma_start3A_210 : memref<1x1x1x512xi32, #tpu.memory_space<hbm>> -> memref<512xi32, #tpu.memory_space<hbm>>
        tpu.enqueue_dma source(%dma_start3A_211 : memref<512xi32, #tpu.memory_space<hbm>>) target(%arg20 : memref<512xi32, #tpu.memory_space<vmem>>) target_semaphore(%arg32 : memref<!tpu.dma_semaphore, #tpu.memory_space<semaphore_mem>>)
        %dma_start3A_212 = arith.constant 1 : i32
        %dma_start3A_213 = arith.constant 1 : i32
        %dma_start3A_214 = arith.constant 0 : i32
        %dma_start3A_215 = tpu.memref_slice %arg4[%dma_start3A_212, %add3A_108, %dma_start3A_213, %dma_start3A_214] : memref<2x3125x2x512xi32, #tpu.memory_space<hbm>> -> memref<1x1x1x512xi32, #tpu.memory_space<hbm>>
        %dma_start3A_216 = tpu.memref_squeeze %dma_start3A_215 : memref<1x1x1x512xi32, #tpu.memory_space<hbm>> -> memref<512xi32, #tpu.memory_space<hbm>>
        %dma_start3A_217 = arith.constant 0 : i32
        %dma_start3A_218 = tpu.memref_slice %arg4[%dma_start3A_212, %add3A_108, %dma_start3A_213, %dma_start3A_217] : memref<2x3125x2x512xi32, #tpu.memory_space<hbm>> -> memref<1x1x1x512xi32, #tpu.memory_space<hbm>>
        %dma_start3A_219 = tpu.memref_squeeze %dma_start3A_218 : memref<1x1x1x512xi32, #tpu.memory_space<hbm>> -> memref<512xi32, #tpu.memory_space<hbm>>
        tpu.enqueue_dma source(%dma_start3A_219 : memref<512xi32, #tpu.memory_space<hbm>>) target(%arg21 : memref<512xi32, #tpu.memory_space<vmem>>) target_semaphore(%arg32 : memref<!tpu.dma_semaphore, #tpu.memory_space<semaphore_mem>>)
      } else {
      }
      %mul3A_129 = arith.constant 4 : i32
      %mul3A_130 = arith.muli %mul3A_129, %scan3A_75 : i32
      %add3A_131 = arith.constant 2 : i32
      %add3A_132 = arith.addi %mul3A_130, %add3A_131 : i32
      %mul3A_133 = arith.constant 32 : i32
      %mul3A_134 = arith.muli %mul3A_133, %add3A_132 : i32
      %add3A_135 = arith.addi %add3A, %mul3A_134 : i32
      %add3A_136 = arith.constant 64 : i32
      %add3A_137 = arith.addi %add3A_135, %add3A_136 : i32
      %lt3A_138 = arith.constant 3125 : i32
      %lt3A_139 = arith.cmpi slt, %add3A_135, %lt3A_138 : i32
      %convert_element_type3A_140 = arith.extui %lt3A_139 : i1 to i32
      %cond3A_141 = arith.constant 0 : i32
      %cond3A_142 = arith.cmpi ne, %convert_element_type3A_140, %cond3A_141 : i32
      scf.if %cond3A_142 {
        %dma_wait3A = arith.constant 0 : i32
        %dma_wait3A_188 = arith.constant 0 : i32
        %dma_wait3A_189 = arith.constant 0 : i32
        %dma_wait3A_190 = tpu.memref_slice %arg4[%dma_wait3A, %add3A_135, %dma_wait3A_188, %dma_wait3A_189] : memref<2x3125x2x512xi32, #tpu.memory_space<hbm>> -> memref<1x1x1x512xi32, #tpu.memory_space<hbm>>
        %dma_wait3A_191 = tpu.memref_squeeze %dma_wait3A_190 : memref<1x1x1x512xi32, #tpu.memory_space<hbm>> -> memref<512xi32, #tpu.memory_space<hbm>>
        %dma_wait3A_192 = arith.constant 0 : i32
        %dma_wait3A_193 = tpu.memref_slice %arg4[%dma_wait3A, %add3A_135, %dma_wait3A_188, %dma_wait3A_192] : memref<2x3125x2x512xi32, #tpu.memory_space<hbm>> -> memref<1x1x1x512xi32, #tpu.memory_space<hbm>>
        %dma_wait3A_194 = tpu.memref_squeeze %dma_wait3A_193 : memref<1x1x1x512xi32, #tpu.memory_space<hbm>> -> memref<512xi32, #tpu.memory_space<hbm>>
        tpu.wait_dma2 semaphore(%arg31 : memref<!tpu.dma_semaphore, #tpu.memory_space<semaphore_mem>>) src(%dma_wait3A_194 : memref<512xi32, #tpu.memory_space<hbm>>) dst(%arg14 : memref<512xi32, #tpu.memory_space<vmem>>)
        %dma_wait3A_195 = arith.constant 0 : i32
        %dma_wait3A_196 = arith.constant 1 : i32
        %dma_wait3A_197 = arith.constant 0 : i32
        %dma_wait3A_198 = tpu.memref_slice %arg4[%dma_wait3A_195, %add3A_135, %dma_wait3A_196, %dma_wait3A_197] : memref<2x3125x2x512xi32, #tpu.memory_space<hbm>> -> memref<1x1x1x512xi32, #tpu.memory_space<hbm>>
        %dma_wait3A_199 = tpu.memref_squeeze %dma_wait3A_198 : memref<1x1x1x512xi32, #tpu.memory_space<hbm>> -> memref<512xi32, #tpu.memory_space<hbm>>
        %dma_wait3A_200 = arith.constant 0 : i32
        %dma_wait3A_201 = tpu.memref_slice %arg4[%dma_wait3A_195, %add3A_135, %dma_wait3A_196, %dma_wait3A_200] : memref<2x3125x2x512xi32, #tpu.memory_space<hbm>> -> memref<1x1x1x512xi32, #tpu.memory_space<hbm>>
        %dma_wait3A_202 = tpu.memref_squeeze %dma_wait3A_201 : memref<1x1x1x512xi32, #tpu.memory_space<hbm>> -> memref<512xi32, #tpu.memory_space<hbm>>
        tpu.wait_dma2 semaphore(%arg31 : memref<!tpu.dma_semaphore, #tpu.memory_space<semaphore_mem>>) src(%dma_wait3A_202 : memref<512xi32, #tpu.memory_space<hbm>>) dst(%arg15 : memref<512xi32, #tpu.memory_space<vmem>>)
        %dma_wait3A_203 = arith.constant 1 : i32
        %dma_wait3A_204 = arith.constant 0 : i32
        %dma_wait3A_205 = arith.constant 0 : i32
        %dma_wait3A_206 = tpu.memref_slice %arg4[%dma_wait3A_203, %add3A_135, %dma_wait3A_204, %dma_wait3A_205] : memref<2x3125x2x512xi32, #tpu.memory_space<hbm>> -> memref<1x1x1x512xi32, #tpu.memory_space<hbm>>
        %dma_wait3A_207 = tpu.memref_squeeze %dma_wait3A_206 : memref<1x1x1x512xi32, #tpu.memory_space<hbm>> -> memref<512xi32, #tpu.memory_space<hbm>>
        %dma_wait3A_208 = arith.constant 0 : i32
        %dma_wait3A_209 = tpu.memref_slice %arg4[%dma_wait3A_203, %add3A_135, %dma_wait3A_204, %dma_wait3A_208] : memref<2x3125x2x512xi32, #tpu.memory_space<hbm>> -> memref<1x1x1x512xi32, #tpu.memory_space<hbm>>
        %dma_wait3A_210 = tpu.memref_squeeze %dma_wait3A_209 : memref<1x1x1x512xi32, #tpu.memory_space<hbm>> -> memref<512xi32, #tpu.memory_space<hbm>>
        tpu.wait_dma2 semaphore(%arg31 : memref<!tpu.dma_semaphore, #tpu.memory_space<semaphore_mem>>) src(%dma_wait3A_210 : memref<512xi32, #tpu.memory_space<hbm>>) dst(%arg16 : memref<512xi32, #tpu.memory_space<vmem>>)
        %dma_wait3A_211 = arith.constant 1 : i32
        %dma_wait3A_212 = arith.constant 1 : i32
        %dma_wait3A_213 = arith.constant 0 : i32
        %dma_wait3A_214 = tpu.memref_slice %arg4[%dma_wait3A_211, %add3A_135, %dma_wait3A_212, %dma_wait3A_213] : memref<2x3125x2x512xi32, #tpu.memory_space<hbm>> -> memref<1x1x1x512xi32, #tpu.memory_space<hbm>>
        %dma_wait3A_215 = tpu.memref_squeeze %dma_wait3A_214 : memref<1x1x1x512xi32, #tpu.memory_space<hbm>> -> memref<512xi32, #tpu.memory_space<hbm>>
        %dma_wait3A_216 = arith.constant 0 : i32
        %dma_wait3A_217 = tpu.memref_slice %arg4[%dma_wait3A_211, %add3A_135, %dma_wait3A_212, %dma_wait3A_216] : memref<2x3125x2x512xi32, #tpu.memory_space<hbm>> -> memref<1x1x1x512xi32, #tpu.memory_space<hbm>>
        %dma_wait3A_218 = tpu.memref_squeeze %dma_wait3A_217 : memref<1x1x1x512xi32, #tpu.memory_space<hbm>> -> memref<512xi32, #tpu.memory_space<hbm>>
        tpu.wait_dma2 semaphore(%arg31 : memref<!tpu.dma_semaphore, #tpu.memory_space<semaphore_mem>>) src(%dma_wait3A_218 : memref<512xi32, #tpu.memory_space<hbm>>) dst(%arg17 : memref<512xi32, #tpu.memory_space<vmem>>)
        %dma_start3A_219 = arith.constant 0 : i32
        %dma_start3A_220 = arith.constant 0 : i32
        %dma_start3A_221 = tpu.memref_slice %arg26[%dma_start3A_219, %dma_start3A_220] : memref<102400x8xf32, #tpu.memory_space<vmem_shared>> -> memref<102400x8xf32, #tpu.memory_space<vmem_shared>>
        tpu.enqueue_indirect_dma source(%dma_start3A_221 : memref<102400x8xf32, #tpu.memory_space<vmem_shared>>) target(%arg22 : memref<512x8xf32, #tpu.memory_space<vmem>>) offsets(%arg14 : memref<512xi32, #tpu.memory_space<vmem>>) semaphore(%arg28 : memref<!tpu.dma_semaphore, #tpu.memory_space<semaphore_mem>>)
        %dma_start3A_222 = arith.constant 0 : i32
        %dma_start3A_223 = arith.constant 0 : i32
        %dma_start3A_224 = tpu.memref_slice %arg26[%dma_start3A_222, %dma_start3A_223] : memref<102400x8xf32, #tpu.memory_space<vmem_shared>> -> memref<102400x8xf32, #tpu.memory_space<vmem_shared>>
        tpu.enqueue_indirect_dma source(%dma_start3A_224 : memref<102400x8xf32, #tpu.memory_space<vmem_shared>>) target(%arg23 : memref<512x8xf32, #tpu.memory_space<vmem>>) offsets(%arg15 : memref<512xi32, #tpu.memory_space<vmem>>) semaphore(%arg28 : memref<!tpu.dma_semaphore, #tpu.memory_space<semaphore_mem>>)
        %dma_wait3A_225 = arith.constant 0 : i32
        %dma_wait3A_226 = arith.constant 0 : i32
        %dma_wait3A_227 = tpu.memref_slice %arg26[%dma_wait3A_225, %dma_wait3A_226] : memref<102400x8xf32, #tpu.memory_space<vmem_shared>> -> memref<102400x8xf32, #tpu.memory_space<vmem_shared>>
        tpu.wait_indirect_dma semaphore(%arg28 : memref<!tpu.dma_semaphore, #tpu.memory_space<semaphore_mem>>) src(%dma_wait3A_227 : memref<102400x8xf32, #tpu.memory_space<vmem_shared>>) dst(%arg22 : memref<512x8xf32, #tpu.memory_space<vmem>>)
        %dma_start3A_228 = arith.constant 0 : i32
        %dma_start3A_229 = arith.constant 0 : i32
        %dma_start3A_230 = tpu.memref_slice %arg27[%dma_start3A_228, %dma_start3A_229] : memref<102400x8xf32, #tpu.memory_space<vmem_shared>> -> memref<102400x8xf32, #tpu.memory_space<vmem_shared>>
        tpu.enqueue_indirect_dma source(%arg22 : memref<512x8xf32, #tpu.memory_space<vmem>>) target(%dma_start3A_230 : memref<102400x8xf32, #tpu.memory_space<vmem_shared>>) offsets(%arg16 : memref<512xi32, #tpu.memory_space<vmem>>) semaphore(%arg33 : memref<!tpu.dma_semaphore, #tpu.memory_space<semaphore_mem>>) {add = true}
        %dma_wait3A_231 = arith.constant 0 : i32
        %dma_wait3A_232 = arith.constant 0 : i32
        %dma_wait3A_233 = tpu.memref_slice %arg26[%dma_wait3A_231, %dma_wait3A_232] : memref<102400x8xf32, #tpu.memory_space<vmem_shared>> -> memref<102400x8xf32, #tpu.memory_space<vmem_shared>>
        tpu.wait_indirect_dma semaphore(%arg28 : memref<!tpu.dma_semaphore, #tpu.memory_space<semaphore_mem>>) src(%dma_wait3A_233 : memref<102400x8xf32, #tpu.memory_space<vmem_shared>>) dst(%arg23 : memref<512x8xf32, #tpu.memory_space<vmem>>)
        %dma_start3A_234 = arith.constant 0 : i32
        %dma_start3A_235 = arith.constant 0 : i32
        %dma_start3A_236 = tpu.memref_slice %arg27[%dma_start3A_234, %dma_start3A_235] : memref<102400x8xf32, #tpu.memory_space<vmem_shared>> -> memref<102400x8xf32, #tpu.memory_space<vmem_shared>>
        tpu.enqueue_indirect_dma source(%arg23 : memref<512x8xf32, #tpu.memory_space<vmem>>) target(%dma_start3A_236 : memref<102400x8xf32, #tpu.memory_space<vmem_shared>>) offsets(%arg17 : memref<512xi32, #tpu.memory_space<vmem>>) semaphore(%arg33 : memref<!tpu.dma_semaphore, #tpu.memory_space<semaphore_mem>>) {add = true}
      } else {
      }
      %gt3A_143 = arith.constant 0 : i32
      %gt3A_144 = arith.cmpi sgt, %add3A_132, %gt3A_143 : i32
      %sub3A_145 = arith.constant 32 : i32
      %sub3A_146 = arith.subi %add3A_135, %sub3A_145 : i32
      %lt3A_147 = arith.constant 3125 : i32
      %lt3A_148 = arith.cmpi slt, %sub3A_146, %lt3A_147 : i32
      %and3A_149 = arith.andi %gt3A_144, %lt3A_148 : i1
      %convert_element_type3A_150 = arith.extui %and3A_149 : i1 to i32
      %cond3A_151 = arith.constant 0 : i32
      %cond3A_152 = arith.cmpi ne, %convert_element_type3A_150, %cond3A_151 : i32
      scf.if %cond3A_152 {
        %dma_wait3A = arith.constant 0 : i32
        %dma_wait3A_188 = arith.constant 0 : i32
        %dma_wait3A_189 = tpu.memref_slice %arg27[%dma_wait3A, %dma_wait3A_188] : memref<102400x8xf32, #tpu.memory_space<vmem_shared>> -> memref<102400x8xf32, #tpu.memory_space<vmem_shared>>
        tpu.wait_indirect_dma semaphore(%arg34 : memref<!tpu.dma_semaphore, #tpu.memory_space<semaphore_mem>>) src(%arg24 : memref<512x8xf32, #tpu.memory_space<vmem>>) dst(%dma_wait3A_189 : memref<102400x8xf32, #tpu.memory_space<vmem_shared>>)
        %dma_wait3A_190 = arith.constant 0 : i32
        %dma_wait3A_191 = arith.constant 0 : i32
        %dma_wait3A_192 = tpu.memref_slice %arg27[%dma_wait3A_190, %dma_wait3A_191] : memref<102400x8xf32, #tpu.memory_space<vmem_shared>> -> memref<102400x8xf32, #tpu.memory_space<vmem_shared>>
        tpu.wait_indirect_dma semaphore(%arg34 : memref<!tpu.dma_semaphore, #tpu.memory_space<semaphore_mem>>) src(%arg25 : memref<512x8xf32, #tpu.memory_space<vmem>>) dst(%dma_wait3A_192 : memref<102400x8xf32, #tpu.memory_space<vmem_shared>>)
      } else {
      }
      %lt3A_153 = arith.constant 3125 : i32
      %lt3A_154 = arith.cmpi slt, %add3A_137, %lt3A_153 : i32
      %convert_element_type3A_155 = arith.extui %lt3A_154 : i1 to i32
      %cond3A_156 = arith.constant 0 : i32
      %cond3A_157 = arith.cmpi ne, %convert_element_type3A_155, %cond3A_156 : i32
      scf.if %cond3A_157 {
        %dma_start3A_188 = arith.constant 0 : i32
        %dma_start3A_189 = arith.constant 0 : i32
        %dma_start3A_190 = arith.constant 0 : i32
        %dma_start3A_191 = tpu.memref_slice %arg4[%dma_start3A_188, %add3A_137, %dma_start3A_189, %dma_start3A_190] : memref<2x3125x2x512xi32, #tpu.memory_space<hbm>> -> memref<1x1x1x512xi32, #tpu.memory_space<hbm>>
        %dma_start3A_192 = tpu.memref_squeeze %dma_start3A_191 : memref<1x1x1x512xi32, #tpu.memory_space<hbm>> -> memref<512xi32, #tpu.memory_space<hbm>>
        %dma_start3A_193 = arith.constant 0 : i32
        %dma_start3A_194 = tpu.memref_slice %arg4[%dma_start3A_188, %add3A_137, %dma_start3A_189, %dma_start3A_193] : memref<2x3125x2x512xi32, #tpu.memory_space<hbm>> -> memref<1x1x1x512xi32, #tpu.memory_space<hbm>>
        %dma_start3A_195 = tpu.memref_squeeze %dma_start3A_194 : memref<1x1x1x512xi32, #tpu.memory_space<hbm>> -> memref<512xi32, #tpu.memory_space<hbm>>
        tpu.enqueue_dma source(%dma_start3A_195 : memref<512xi32, #tpu.memory_space<hbm>>) target(%arg6 : memref<512xi32, #tpu.memory_space<vmem>>) target_semaphore(%arg29 : memref<!tpu.dma_semaphore, #tpu.memory_space<semaphore_mem>>)
        %dma_start3A_196 = arith.constant 0 : i32
        %dma_start3A_197 = arith.constant 1 : i32
        %dma_start3A_198 = arith.constant 0 : i32
        %dma_start3A_199 = tpu.memref_slice %arg4[%dma_start3A_196, %add3A_137, %dma_start3A_197, %dma_start3A_198] : memref<2x3125x2x512xi32, #tpu.memory_space<hbm>> -> memref<1x1x1x512xi32, #tpu.memory_space<hbm>>
        %dma_start3A_200 = tpu.memref_squeeze %dma_start3A_199 : memref<1x1x1x512xi32, #tpu.memory_space<hbm>> -> memref<512xi32, #tpu.memory_space<hbm>>
        %dma_start3A_201 = arith.constant 0 : i32
        %dma_start3A_202 = tpu.memref_slice %arg4[%dma_start3A_196, %add3A_137, %dma_start3A_197, %dma_start3A_201] : memref<2x3125x2x512xi32, #tpu.memory_space<hbm>> -> memref<1x1x1x512xi32, #tpu.memory_space<hbm>>
        %dma_start3A_203 = tpu.memref_squeeze %dma_start3A_202 : memref<1x1x1x512xi32, #tpu.memory_space<hbm>> -> memref<512xi32, #tpu.memory_space<hbm>>
        tpu.enqueue_dma source(%dma_start3A_203 : memref<512xi32, #tpu.memory_space<hbm>>) target(%arg7 : memref<512xi32, #tpu.memory_space<vmem>>) target_semaphore(%arg29 : memref<!tpu.dma_semaphore, #tpu.memory_space<semaphore_mem>>)
        %dma_start3A_204 = arith.constant 1 : i32
        %dma_start3A_205 = arith.constant 0 : i32
        %dma_start3A_206 = arith.constant 0 : i32
        %dma_start3A_207 = tpu.memref_slice %arg4[%dma_start3A_204, %add3A_137, %dma_start3A_205, %dma_start3A_206] : memref<2x3125x2x512xi32, #tpu.memory_space<hbm>> -> memref<1x1x1x512xi32, #tpu.memory_space<hbm>>
        %dma_start3A_208 = tpu.memref_squeeze %dma_start3A_207 : memref<1x1x1x512xi32, #tpu.memory_space<hbm>> -> memref<512xi32, #tpu.memory_space<hbm>>
        %dma_start3A_209 = arith.constant 0 : i32
        %dma_start3A_210 = tpu.memref_slice %arg4[%dma_start3A_204, %add3A_137, %dma_start3A_205, %dma_start3A_209] : memref<2x3125x2x512xi32, #tpu.memory_space<hbm>> -> memref<1x1x1x512xi32, #tpu.memory_space<hbm>>
        %dma_start3A_211 = tpu.memref_squeeze %dma_start3A_210 : memref<1x1x1x512xi32, #tpu.memory_space<hbm>> -> memref<512xi32, #tpu.memory_space<hbm>>
        tpu.enqueue_dma source(%dma_start3A_211 : memref<512xi32, #tpu.memory_space<hbm>>) target(%arg8 : memref<512xi32, #tpu.memory_space<vmem>>) target_semaphore(%arg29 : memref<!tpu.dma_semaphore, #tpu.memory_space<semaphore_mem>>)
        %dma_start3A_212 = arith.constant 1 : i32
        %dma_start3A_213 = arith.constant 1 : i32
        %dma_start3A_214 = arith.constant 0 : i32
        %dma_start3A_215 = tpu.memref_slice %arg4[%dma_start3A_212, %add3A_137, %dma_start3A_213, %dma_start3A_214] : memref<2x3125x2x512xi32, #tpu.memory_space<hbm>> -> memref<1x1x1x512xi32, #tpu.memory_space<hbm>>
        %dma_start3A_216 = tpu.memref_squeeze %dma_start3A_215 : memref<1x1x1x512xi32, #tpu.memory_space<hbm>> -> memref<512xi32, #tpu.memory_space<hbm>>
        %dma_start3A_217 = arith.constant 0 : i32
        %dma_start3A_218 = tpu.memref_slice %arg4[%dma_start3A_212, %add3A_137, %dma_start3A_213, %dma_start3A_217] : memref<2x3125x2x512xi32, #tpu.memory_space<hbm>> -> memref<1x1x1x512xi32, #tpu.memory_space<hbm>>
        %dma_start3A_219 = tpu.memref_squeeze %dma_start3A_218 : memref<1x1x1x512xi32, #tpu.memory_space<hbm>> -> memref<512xi32, #tpu.memory_space<hbm>>
        tpu.enqueue_dma source(%dma_start3A_219 : memref<512xi32, #tpu.memory_space<hbm>>) target(%arg9 : memref<512xi32, #tpu.memory_space<vmem>>) target_semaphore(%arg29 : memref<!tpu.dma_semaphore, #tpu.memory_space<semaphore_mem>>)
      } else {
      }
      %mul3A_158 = arith.constant 4 : i32
      %mul3A_159 = arith.muli %mul3A_158, %scan3A_75 : i32
      %add3A_160 = arith.constant 3 : i32
      %add3A_161 = arith.addi %mul3A_159, %add3A_160 : i32
      %mul3A_162 = arith.constant 32 : i32
      %mul3A_163 = arith.muli %mul3A_162, %add3A_161 : i32
      %add3A_164 = arith.addi %add3A, %mul3A_163 : i32
      %add3A_165 = arith.constant 64 : i32
      %add3A_166 = arith.addi %add3A_164, %add3A_165 : i32
      %lt3A_167 = arith.constant 3125 : i32
      %lt3A_168 = arith.cmpi slt, %add3A_164, %lt3A_167 : i32
      %convert_element_type3A_169 = arith.extui %lt3A_168 : i1 to i32
      %cond3A_170 = arith.constant 0 : i32
      %cond3A_171 = arith.cmpi ne, %convert_element_type3A_169, %cond3A_170 : i32
      scf.if %cond3A_171 {
        %dma_wait3A = arith.constant 0 : i32
        %dma_wait3A_188 = arith.constant 0 : i32
        %dma_wait3A_189 = arith.constant 0 : i32
        %dma_wait3A_190 = tpu.memref_slice %arg4[%dma_wait3A, %add3A_164, %dma_wait3A_188, %dma_wait3A_189] : memref<2x3125x2x512xi32, #tpu.memory_space<hbm>> -> memref<1x1x1x512xi32, #tpu.memory_space<hbm>>
        %dma_wait3A_191 = tpu.memref_squeeze %dma_wait3A_190 : memref<1x1x1x512xi32, #tpu.memory_space<hbm>> -> memref<512xi32, #tpu.memory_space<hbm>>
        %dma_wait3A_192 = arith.constant 0 : i32
        %dma_wait3A_193 = tpu.memref_slice %arg4[%dma_wait3A, %add3A_164, %dma_wait3A_188, %dma_wait3A_192] : memref<2x3125x2x512xi32, #tpu.memory_space<hbm>> -> memref<1x1x1x512xi32, #tpu.memory_space<hbm>>
        %dma_wait3A_194 = tpu.memref_squeeze %dma_wait3A_193 : memref<1x1x1x512xi32, #tpu.memory_space<hbm>> -> memref<512xi32, #tpu.memory_space<hbm>>
        tpu.wait_dma2 semaphore(%arg32 : memref<!tpu.dma_semaphore, #tpu.memory_space<semaphore_mem>>) src(%dma_wait3A_194 : memref<512xi32, #tpu.memory_space<hbm>>) dst(%arg18 : memref<512xi32, #tpu.memory_space<vmem>>)
        %dma_wait3A_195 = arith.constant 0 : i32
        %dma_wait3A_196 = arith.constant 1 : i32
        %dma_wait3A_197 = arith.constant 0 : i32
        %dma_wait3A_198 = tpu.memref_slice %arg4[%dma_wait3A_195, %add3A_164, %dma_wait3A_196, %dma_wait3A_197] : memref<2x3125x2x512xi32, #tpu.memory_space<hbm>> -> memref<1x1x1x512xi32, #tpu.memory_space<hbm>>
        %dma_wait3A_199 = tpu.memref_squeeze %dma_wait3A_198 : memref<1x1x1x512xi32, #tpu.memory_space<hbm>> -> memref<512xi32, #tpu.memory_space<hbm>>
        %dma_wait3A_200 = arith.constant 0 : i32
        %dma_wait3A_201 = tpu.memref_slice %arg4[%dma_wait3A_195, %add3A_164, %dma_wait3A_196, %dma_wait3A_200] : memref<2x3125x2x512xi32, #tpu.memory_space<hbm>> -> memref<1x1x1x512xi32, #tpu.memory_space<hbm>>
        %dma_wait3A_202 = tpu.memref_squeeze %dma_wait3A_201 : memref<1x1x1x512xi32, #tpu.memory_space<hbm>> -> memref<512xi32, #tpu.memory_space<hbm>>
        tpu.wait_dma2 semaphore(%arg32 : memref<!tpu.dma_semaphore, #tpu.memory_space<semaphore_mem>>) src(%dma_wait3A_202 : memref<512xi32, #tpu.memory_space<hbm>>) dst(%arg19 : memref<512xi32, #tpu.memory_space<vmem>>)
        %dma_wait3A_203 = arith.constant 1 : i32
        %dma_wait3A_204 = arith.constant 0 : i32
        %dma_wait3A_205 = arith.constant 0 : i32
        %dma_wait3A_206 = tpu.memref_slice %arg4[%dma_wait3A_203, %add3A_164, %dma_wait3A_204, %dma_wait3A_205] : memref<2x3125x2x512xi32, #tpu.memory_space<hbm>> -> memref<1x1x1x512xi32, #tpu.memory_space<hbm>>
        %dma_wait3A_207 = tpu.memref_squeeze %dma_wait3A_206 : memref<1x1x1x512xi32, #tpu.memory_space<hbm>> -> memref<512xi32, #tpu.memory_space<hbm>>
        %dma_wait3A_208 = arith.constant 0 : i32
        %dma_wait3A_209 = tpu.memref_slice %arg4[%dma_wait3A_203, %add3A_164, %dma_wait3A_204, %dma_wait3A_208] : memref<2x3125x2x512xi32, #tpu.memory_space<hbm>> -> memref<1x1x1x512xi32, #tpu.memory_space<hbm>>
        %dma_wait3A_210 = tpu.memref_squeeze %dma_wait3A_209 : memref<1x1x1x512xi32, #tpu.memory_space<hbm>> -> memref<512xi32, #tpu.memory_space<hbm>>
        tpu.wait_dma2 semaphore(%arg32 : memref<!tpu.dma_semaphore, #tpu.memory_space<semaphore_mem>>) src(%dma_wait3A_210 : memref<512xi32, #tpu.memory_space<hbm>>) dst(%arg20 : memref<512xi32, #tpu.memory_space<vmem>>)
        %dma_wait3A_211 = arith.constant 1 : i32
        %dma_wait3A_212 = arith.constant 1 : i32
        %dma_wait3A_213 = arith.constant 0 : i32
        %dma_wait3A_214 = tpu.memref_slice %arg4[%dma_wait3A_211, %add3A_164, %dma_wait3A_212, %dma_wait3A_213] : memref<2x3125x2x512xi32, #tpu.memory_space<hbm>> -> memref<1x1x1x512xi32, #tpu.memory_space<hbm>>
        %dma_wait3A_215 = tpu.memref_squeeze %dma_wait3A_214 : memref<1x1x1x512xi32, #tpu.memory_space<hbm>> -> memref<512xi32, #tpu.memory_space<hbm>>
        %dma_wait3A_216 = arith.constant 0 : i32
        %dma_wait3A_217 = tpu.memref_slice %arg4[%dma_wait3A_211, %add3A_164, %dma_wait3A_212, %dma_wait3A_216] : memref<2x3125x2x512xi32, #tpu.memory_space<hbm>> -> memref<1x1x1x512xi32, #tpu.memory_space<hbm>>
        %dma_wait3A_218 = tpu.memref_squeeze %dma_wait3A_217 : memref<1x1x1x512xi32, #tpu.memory_space<hbm>> -> memref<512xi32, #tpu.memory_space<hbm>>
        tpu.wait_dma2 semaphore(%arg32 : memref<!tpu.dma_semaphore, #tpu.memory_space<semaphore_mem>>) src(%dma_wait3A_218 : memref<512xi32, #tpu.memory_space<hbm>>) dst(%arg21 : memref<512xi32, #tpu.memory_space<vmem>>)
        %dma_start3A_219 = arith.constant 0 : i32
        %dma_start3A_220 = arith.constant 0 : i32
        %dma_start3A_221 = tpu.memref_slice %arg26[%dma_start3A_219, %dma_start3A_220] : memref<102400x8xf32, #tpu.memory_space<vmem_shared>> -> memref<102400x8xf32, #tpu.memory_space<vmem_shared>>
        tpu.enqueue_indirect_dma source(%dma_start3A_221 : memref<102400x8xf32, #tpu.memory_space<vmem_shared>>) target(%arg24 : memref<512x8xf32, #tpu.memory_space<vmem>>) offsets(%arg18 : memref<512xi32, #tpu.memory_space<vmem>>) semaphore(%arg28 : memref<!tpu.dma_semaphore, #tpu.memory_space<semaphore_mem>>)
        %dma_start3A_222 = arith.constant 0 : i32
        %dma_start3A_223 = arith.constant 0 : i32
        %dma_start3A_224 = tpu.memref_slice %arg26[%dma_start3A_222, %dma_start3A_223] : memref<102400x8xf32, #tpu.memory_space<vmem_shared>> -> memref<102400x8xf32, #tpu.memory_space<vmem_shared>>
        tpu.enqueue_indirect_dma source(%dma_start3A_224 : memref<102400x8xf32, #tpu.memory_space<vmem_shared>>) target(%arg25 : memref<512x8xf32, #tpu.memory_space<vmem>>) offsets(%arg19 : memref<512xi32, #tpu.memory_space<vmem>>) semaphore(%arg28 : memref<!tpu.dma_semaphore, #tpu.memory_space<semaphore_mem>>)
        %dma_wait3A_225 = arith.constant 0 : i32
        %dma_wait3A_226 = arith.constant 0 : i32
        %dma_wait3A_227 = tpu.memref_slice %arg26[%dma_wait3A_225, %dma_wait3A_226] : memref<102400x8xf32, #tpu.memory_space<vmem_shared>> -> memref<102400x8xf32, #tpu.memory_space<vmem_shared>>
        tpu.wait_indirect_dma semaphore(%arg28 : memref<!tpu.dma_semaphore, #tpu.memory_space<semaphore_mem>>) src(%dma_wait3A_227 : memref<102400x8xf32, #tpu.memory_space<vmem_shared>>) dst(%arg24 : memref<512x8xf32, #tpu.memory_space<vmem>>)
        %dma_start3A_228 = arith.constant 0 : i32
        %dma_start3A_229 = arith.constant 0 : i32
        %dma_start3A_230 = tpu.memref_slice %arg27[%dma_start3A_228, %dma_start3A_229] : memref<102400x8xf32, #tpu.memory_space<vmem_shared>> -> memref<102400x8xf32, #tpu.memory_space<vmem_shared>>
        tpu.enqueue_indirect_dma source(%arg24 : memref<512x8xf32, #tpu.memory_space<vmem>>) target(%dma_start3A_230 : memref<102400x8xf32, #tpu.memory_space<vmem_shared>>) offsets(%arg20 : memref<512xi32, #tpu.memory_space<vmem>>) semaphore(%arg34 : memref<!tpu.dma_semaphore, #tpu.memory_space<semaphore_mem>>) {add = true}
        %dma_wait3A_231 = arith.constant 0 : i32
        %dma_wait3A_232 = arith.constant 0 : i32
        %dma_wait3A_233 = tpu.memref_slice %arg26[%dma_wait3A_231, %dma_wait3A_232] : memref<102400x8xf32, #tpu.memory_space<vmem_shared>> -> memref<102400x8xf32, #tpu.memory_space<vmem_shared>>
        tpu.wait_indirect_dma semaphore(%arg28 : memref<!tpu.dma_semaphore, #tpu.memory_space<semaphore_mem>>) src(%dma_wait3A_233 : memref<102400x8xf32, #tpu.memory_space<vmem_shared>>) dst(%arg25 : memref<512x8xf32, #tpu.memory_space<vmem>>)
        %dma_start3A_234 = arith.constant 0 : i32
        %dma_start3A_235 = arith.constant 0 : i32
        %dma_start3A_236 = tpu.memref_slice %arg27[%dma_start3A_234, %dma_start3A_235] : memref<102400x8xf32, #tpu.memory_space<vmem_shared>> -> memref<102400x8xf32, #tpu.memory_space<vmem_shared>>
        tpu.enqueue_indirect_dma source(%arg25 : memref<512x8xf32, #tpu.memory_space<vmem>>) target(%dma_start3A_236 : memref<102400x8xf32, #tpu.memory_space<vmem_shared>>) offsets(%arg21 : memref<512xi32, #tpu.memory_space<vmem>>) semaphore(%arg34 : memref<!tpu.dma_semaphore, #tpu.memory_space<semaphore_mem>>) {add = true}
      } else {
      }
      %gt3A_172 = arith.constant 0 : i32
      %gt3A_173 = arith.cmpi sgt, %add3A_161, %gt3A_172 : i32
      %sub3A_174 = arith.constant 32 : i32
      %sub3A_175 = arith.subi %add3A_164, %sub3A_174 : i32
      %lt3A_176 = arith.constant 3125 : i32
      %lt3A_177 = arith.cmpi slt, %sub3A_175, %lt3A_176 : i32
      %and3A_178 = arith.andi %gt3A_173, %lt3A_177 : i1
      %convert_element_type3A_179 = arith.extui %and3A_178 : i1 to i32
      %cond3A_180 = arith.constant 0 : i32
      %cond3A_181 = arith.cmpi ne, %convert_element_type3A_179, %cond3A_180 : i32
      scf.if %cond3A_181 {
        %dma_wait3A = arith.constant 0 : i32
        %dma_wait3A_188 = arith.constant 0 : i32
        %dma_wait3A_189 = tpu.memref_slice %arg27[%dma_wait3A, %dma_wait3A_188] : memref<102400x8xf32, #tpu.memory_space<vmem_shared>> -> memref<102400x8xf32, #tpu.memory_space<vmem_shared>>
        tpu.wait_indirect_dma semaphore(%arg33 : memref<!tpu.dma_semaphore, #tpu.memory_space<semaphore_mem>>) src(%arg22 : memref<512x8xf32, #tpu.memory_space<vmem>>) dst(%dma_wait3A_189 : memref<102400x8xf32, #tpu.memory_space<vmem_shared>>)
        %dma_wait3A_190 = arith.constant 0 : i32
        %dma_wait3A_191 = arith.constant 0 : i32
        %dma_wait3A_192 = tpu.memref_slice %arg27[%dma_wait3A_190, %dma_wait3A_191] : memref<102400x8xf32, #tpu.memory_space<vmem_shared>> -> memref<102400x8xf32, #tpu.memory_space<vmem_shared>>
        tpu.wait_indirect_dma semaphore(%arg33 : memref<!tpu.dma_semaphore, #tpu.memory_space<semaphore_mem>>) src(%arg23 : memref<512x8xf32, #tpu.memory_space<vmem>>) dst(%dma_wait3A_192 : memref<102400x8xf32, #tpu.memory_space<vmem_shared>>)
      } else {
      }
      %lt3A_182 = arith.constant 3125 : i32
      %lt3A_183 = arith.cmpi slt, %add3A_166, %lt3A_182 : i32
      %convert_element_type3A_184 = arith.extui %lt3A_183 : i1 to i32
      %cond3A_185 = arith.constant 0 : i32
      %cond3A_186 = arith.cmpi ne, %convert_element_type3A_184, %cond3A_185 : i32
      scf.if %cond3A_186 {
        %dma_start3A_188 = arith.constant 0 : i32
        %dma_start3A_189 = arith.constant 0 : i32
        %dma_start3A_190 = arith.constant 0 : i32
        %dma_start3A_191 = tpu.memref_slice %arg4[%dma_start3A_188, %add3A_166, %dma_start3A_189, %dma_start3A_190] : memref<2x3125x2x512xi32, #tpu.memory_space<hbm>> -> memref<1x1x1x512xi32, #tpu.memory_space<hbm>>
        %dma_start3A_192 = tpu.memref_squeeze %dma_start3A_191 : memref<1x1x1x512xi32, #tpu.memory_space<hbm>> -> memref<512xi32, #tpu.memory_space<hbm>>
        %dma_start3A_193 = arith.constant 0 : i32
        %dma_start3A_194 = tpu.memref_slice %arg4[%dma_start3A_188, %add3A_166, %dma_start3A_189, %dma_start3A_193] : memref<2x3125x2x512xi32, #tpu.memory_space<hbm>> -> memref<1x1x1x512xi32, #tpu.memory_space<hbm>>
        %dma_start3A_195 = tpu.memref_squeeze %dma_start3A_194 : memref<1x1x1x512xi32, #tpu.memory_space<hbm>> -> memref<512xi32, #tpu.memory_space<hbm>>
        tpu.enqueue_dma source(%dma_start3A_195 : memref<512xi32, #tpu.memory_space<hbm>>) target(%arg10 : memref<512xi32, #tpu.memory_space<vmem>>) target_semaphore(%arg30 : memref<!tpu.dma_semaphore, #tpu.memory_space<semaphore_mem>>)
        %dma_start3A_196 = arith.constant 0 : i32
        %dma_start3A_197 = arith.constant 1 : i32
        %dma_start3A_198 = arith.constant 0 : i32
        %dma_start3A_199 = tpu.memref_slice %arg4[%dma_start3A_196, %add3A_166, %dma_start3A_197, %dma_start3A_198] : memref<2x3125x2x512xi32, #tpu.memory_space<hbm>> -> memref<1x1x1x512xi32, #tpu.memory_space<hbm>>
        %dma_start3A_200 = tpu.memref_squeeze %dma_start3A_199 : memref<1x1x1x512xi32, #tpu.memory_space<hbm>> -> memref<512xi32, #tpu.memory_space<hbm>>
        %dma_start3A_201 = arith.constant 0 : i32
        %dma_start3A_202 = tpu.memref_slice %arg4[%dma_start3A_196, %add3A_166, %dma_start3A_197, %dma_start3A_201] : memref<2x3125x2x512xi32, #tpu.memory_space<hbm>> -> memref<1x1x1x512xi32, #tpu.memory_space<hbm>>
        %dma_start3A_203 = tpu.memref_squeeze %dma_start3A_202 : memref<1x1x1x512xi32, #tpu.memory_space<hbm>> -> memref<512xi32, #tpu.memory_space<hbm>>
        tpu.enqueue_dma source(%dma_start3A_203 : memref<512xi32, #tpu.memory_space<hbm>>) target(%arg11 : memref<512xi32, #tpu.memory_space<vmem>>) target_semaphore(%arg30 : memref<!tpu.dma_semaphore, #tpu.memory_space<semaphore_mem>>)
        %dma_start3A_204 = arith.constant 1 : i32
        %dma_start3A_205 = arith.constant 0 : i32
        %dma_start3A_206 = arith.constant 0 : i32
        %dma_start3A_207 = tpu.memref_slice %arg4[%dma_start3A_204, %add3A_166, %dma_start3A_205, %dma_start3A_206] : memref<2x3125x2x512xi32, #tpu.memory_space<hbm>> -> memref<1x1x1x512xi32, #tpu.memory_space<hbm>>
        %dma_start3A_208 = tpu.memref_squeeze %dma_start3A_207 : memref<1x1x1x512xi32, #tpu.memory_space<hbm>> -> memref<512xi32, #tpu.memory_space<hbm>>
        %dma_start3A_209 = arith.constant 0 : i32
        %dma_start3A_210 = tpu.memref_slice %arg4[%dma_start3A_204, %add3A_166, %dma_start3A_205, %dma_start3A_209] : memref<2x3125x2x512xi32, #tpu.memory_space<hbm>> -> memref<1x1x1x512xi32, #tpu.memory_space<hbm>>
        %dma_start3A_211 = tpu.memref_squeeze %dma_start3A_210 : memref<1x1x1x512xi32, #tpu.memory_space<hbm>> -> memref<512xi32, #tpu.memory_space<hbm>>
        tpu.enqueue_dma source(%dma_start3A_211 : memref<512xi32, #tpu.memory_space<hbm>>) target(%arg12 : memref<512xi32, #tpu.memory_space<vmem>>) target_semaphore(%arg30 : memref<!tpu.dma_semaphore, #tpu.memory_space<semaphore_mem>>)
        %dma_start3A_212 = arith.constant 1 : i32
        %dma_start3A_213 = arith.constant 1 : i32
        %dma_start3A_214 = arith.constant 0 : i32
        %dma_start3A_215 = tpu.memref_slice %arg4[%dma_start3A_212, %add3A_166, %dma_start3A_213, %dma_start3A_214] : memref<2x3125x2x512xi32, #tpu.memory_space<hbm>> -> memref<1x1x1x512xi32, #tpu.memory_space<hbm>>
        %dma_start3A_216 = tpu.memref_squeeze %dma_start3A_215 : memref<1x1x1x512xi32, #tpu.memory_space<hbm>> -> memref<512xi32, #tpu.memory_space<hbm>>
        %dma_start3A_217 = arith.constant 0 : i32
        %dma_start3A_218 = tpu.memref_slice %arg4[%dma_start3A_212, %add3A_166, %dma_start3A_213, %dma_start3A_217] : memref<2x3125x2x512xi32, #tpu.memory_space<hbm>> -> memref<1x1x1x512xi32, #tpu.memory_space<hbm>>
        %dma_start3A_219 = tpu.memref_squeeze %dma_start3A_218 : memref<1x1x1x512xi32, #tpu.memory_space<hbm>> -> memref<512xi32, #tpu.memory_space<hbm>>
        tpu.enqueue_dma source(%dma_start3A_219 : memref<512xi32, #tpu.memory_space<hbm>>) target(%arg13 : memref<512xi32, #tpu.memory_space<vmem>>) target_semaphore(%arg30 : memref<!tpu.dma_semaphore, #tpu.memory_space<semaphore_mem>>)
      } else {
      }
      %scan3A_187 = arith.constant 0 : i32
      scf.yield %scan3A_187 : i32
    }
    %scan3A_73 = arith.constant 25 : i32
    %barrier3A_74 = arith.constant 0 : index
    tpu.barrier barrier_id(%barrier3A_74)
    "tpu.region"() ({
      %run_scoped3A = tpu.sem_alloc : memref<!tpu.dma_semaphore, #tpu.memory_space<semaphore_mem>>
      %dma_start3A_75 = arith.constant 0 : i32
      %dma_start3A_76 = tpu.memref_slice %arg5[%arg0, %mul3A_2, %dma_start3A_75] : memref<2x102400x8xf32, #tpu.memory_space<hbm>> -> memref<1x6400x8xf32, #tpu.memory_space<hbm>>
      %dma_start3A_77 = tpu.memref_squeeze %dma_start3A_76 : memref<1x6400x8xf32, #tpu.memory_space<hbm>> -> memref<6400x8xf32, #tpu.memory_space<hbm>>
      %dma_start3A_78 = arith.constant 0 : i32
      %dma_start3A_79 = tpu.memref_slice %arg27[%mul3A_2, %dma_start3A_78] : memref<102400x8xf32, #tpu.memory_space<vmem_shared>> -> memref<6400x8xf32, #tpu.memory_space<vmem_shared>>
      tpu.enqueue_dma source(%dma_start3A_79 : memref<6400x8xf32, #tpu.memory_space<vmem_shared>>) target(%dma_start3A_77 : memref<6400x8xf32, #tpu.memory_space<hbm>>) target_semaphore(%run_scoped3A : memref<!tpu.dma_semaphore, #tpu.memory_space<semaphore_mem>>)
      %dma_wait3A = arith.constant 0 : i32
      %dma_wait3A_80 = tpu.memref_slice %arg5[%arg0, %mul3A_2, %dma_wait3A] : memref<2x102400x8xf32, #tpu.memory_space<hbm>> -> memref<1x6400x8xf32, #tpu.memory_space<hbm>>
      %dma_wait3A_81 = tpu.memref_squeeze %dma_wait3A_80 : memref<1x6400x8xf32, #tpu.memory_space<hbm>> -> memref<6400x8xf32, #tpu.memory_space<hbm>>
      %dma_wait3A_82 = arith.constant 0 : i32
      %dma_wait3A_83 = tpu.memref_slice %arg27[%mul3A_2, %dma_wait3A_82] : memref<102400x8xf32, #tpu.memory_space<vmem_shared>> -> memref<6400x8xf32, #tpu.memory_space<vmem_shared>>
      tpu.wait_dma2 semaphore(%run_scoped3A : memref<!tpu.dma_semaphore, #tpu.memory_space<semaphore_mem>>) src(%dma_wait3A_83 : memref<6400x8xf32, #tpu.memory_space<vmem_shared>>) dst(%dma_wait3A_81 : memref<6400x8xf32, #tpu.memory_space<hbm>>)
      tpu.yield
    }) : () -> ()
    return
  }
}

module attributes {stable_mosaic.version = 14 : i64} {
  func.func @body(%arg0: memref<1000x100xf32, #tpu.memory_space<vmem>>, %arg1: memref<1000x100xf32, #tpu.memory_space<vmem>>, %arg2: memref<1000x100xf32, #tpu.memory_space<vmem>>, %arg3: memref<1000x100xf32, #tpu.memory_space<vmem>>, %arg4: memref<1000x100xf32, #tpu.memory_space<vmem>>, %arg5: memref<1x4xf32, #tpu.memory_space<vmem>>, %arg6: memref<1x4xf32, #tpu.memory_space<vmem>>, %arg7: memref<1x4xf32, #tpu.memory_space<vmem>>, %arg8: memref<10x400xf32, #tpu.memory_space<vmem>>, %arg9: memref<1x10xf32, #tpu.memory_space<vmem>>, %arg10: memref<1000x10xf32, #tpu.memory_space<vmem>>) attributes {dimension_semantics = [], scalar_prefetch = 0 : i64, scratch_operands = 0 : i64, tpu.core_type = #tpu.core_type<tc>} {
    %get3A = arith.constant 0 : index
    %get3A_0 = arith.constant 0 : index
    %get3A_1 = vector.load %arg0[%get3A, %get3A_0] : memref<1000x100xf32, #tpu.memory_space<vmem>>, vector<1000x100xf32>
    %get3A_2 = arith.constant 0 : index
    %get3A_3 = arith.constant 0 : index
    %get3A_4 = vector.load %arg1[%get3A_2, %get3A_3] : memref<1000x100xf32, #tpu.memory_space<vmem>>, vector<1000x100xf32>
    %add3A = arith.addf %get3A_1, %get3A_4 : vector<1000x100xf32>
    %get3A_5 = arith.constant 0 : index
    %get3A_6 = arith.constant 0 : index
    %get3A_7 = vector.load %arg2[%get3A_5, %get3A_6] : memref<1000x100xf32, #tpu.memory_space<vmem>>, vector<1000x100xf32>
    %get3A_8 = arith.constant 0 : index
    %get3A_9 = arith.constant 0 : index
    %get3A_10 = vector.load %arg3[%get3A_8, %get3A_9] : memref<1000x100xf32, #tpu.memory_space<vmem>>, vector<1000x100xf32>
    %add3A_11 = arith.addf %get3A_7, %get3A_10 : vector<1000x100xf32>
    %max3A = arith.constant 1.000000e+00 : f32
    %max3A_12 = vector.broadcast %max3A : f32 to vector<1000x100xf32>
    %max3A_13 = arith.maximumf %add3A_11, %max3A_12 : vector<1000x100xf32>
    %div3A = arith.divf %add3A, %max3A_13 : vector<1000x100xf32>
    %get3A_14 = arith.constant 0 : index
    %get3A_15 = arith.constant 0 : index
    %get3A_16 = vector.load %arg4[%get3A_14, %get3A_15] : memref<1000x100xf32, #tpu.memory_space<vmem>>, vector<1000x100xf32>
    %iota3A = tpu.iota {dimensions = array<i32: 0>} : vector<100x400xi32>
    %iota3A_17 = tpu.iota {dimensions = array<i32: 1>} : vector<100x400xi32>
    %jit3A = arith.constant 4 : i32
    %div3A_18 = vector.broadcast %jit3A : i32 to vector<100x400xi32>
    %div3A_19 = arith.divsi %iota3A_17, %div3A_18 : vector<100x400xi32>
    %sign3A = arith.constant 0 : i32
    %sign3A_20 = vector.broadcast %sign3A : i32 to vector<100x400xi32>
    %sign3A_21 = arith.cmpi sgt, %iota3A_17, %sign3A_20 : vector<100x400xi32>
    %sign3A_22 = arith.extui %sign3A_21 : vector<100x400xi1> to vector<100x400xi32>
    %sign3A_23 = arith.constant 0 : i32
    %sign3A_24 = vector.broadcast %sign3A_23 : i32 to vector<100x400xi32>
    %sign3A_25 = arith.cmpi slt, %iota3A_17, %sign3A_24 : vector<100x400xi32>
    %sign3A_26 = arith.extui %sign3A_25 : vector<100x400xi1> to vector<100x400xi32>
    %sign3A_27 = arith.subi %sign3A_22, %sign3A_26 : vector<100x400xi32>
    %sign3A_28 = arith.constant 0 : i32
    %sign3A_29 = arith.cmpi sgt, %jit3A, %sign3A_28 : i32
    %sign3A_30 = arith.extui %sign3A_29 : i1 to i32
    %sign3A_31 = arith.constant 0 : i32
    %sign3A_32 = arith.cmpi slt, %jit3A, %sign3A_31 : i32
    %sign3A_33 = arith.extui %sign3A_32 : i1 to i32
    %sign3A_34 = arith.subi %sign3A_30, %sign3A_33 : i32
    %ne3A = vector.broadcast %sign3A_34 : i32 to vector<100x400xi32>
    %ne3A_35 = arith.cmpi ne, %sign3A_27, %ne3A : vector<100x400xi32>
    %rem3A = vector.broadcast %jit3A : i32 to vector<100x400xi32>
    %rem3A_36 = arith.remsi %iota3A_17, %rem3A : vector<100x400xi32>
    %ne3A_37 = arith.constant 0 : i32
    %ne3A_38 = vector.broadcast %ne3A_37 : i32 to vector<100x400xi32>
    %ne3A_39 = arith.cmpi ne, %rem3A_36, %ne3A_38 : vector<100x400xi32>
    %and3A = arith.andi %ne3A_35, %ne3A_39 : vector<100x400xi1>
    %sub3A = arith.constant 1 : i32
    %sub3A_40 = vector.broadcast %sub3A : i32 to vector<100x400xi32>
    %sub3A_41 = arith.subi %div3A_19, %sub3A_40 : vector<100x400xi32>
    %select_n3A = arith.select %and3A, %sub3A_41, %div3A_19 : vector<100x400xi1>, vector<100x400xi32>
    %mul3A = arith.constant 4 : i32
    %mul3A_42 = vector.broadcast %mul3A : i32 to vector<100x400xi32>
    %mul3A_43 = arith.muli %mul3A_42, %select_n3A : vector<100x400xi32>
    %sub3A_44 = arith.subi %iota3A_17, %mul3A_43 : vector<100x400xi32>
    %jit3A_45 = arith.constant 4 : i32
    %div3A_46 = vector.broadcast %jit3A_45 : i32 to vector<100x400xi32>
    %div3A_47 = arith.divsi %iota3A_17, %div3A_46 : vector<100x400xi32>
    %sign3A_48 = arith.constant 0 : i32
    %sign3A_49 = vector.broadcast %sign3A_48 : i32 to vector<100x400xi32>
    %sign3A_50 = arith.cmpi sgt, %iota3A_17, %sign3A_49 : vector<100x400xi32>
    %sign3A_51 = arith.extui %sign3A_50 : vector<100x400xi1> to vector<100x400xi32>
    %sign3A_52 = arith.constant 0 : i32
    %sign3A_53 = vector.broadcast %sign3A_52 : i32 to vector<100x400xi32>
    %sign3A_54 = arith.cmpi slt, %iota3A_17, %sign3A_53 : vector<100x400xi32>
    %sign3A_55 = arith.extui %sign3A_54 : vector<100x400xi1> to vector<100x400xi32>
    %sign3A_56 = arith.subi %sign3A_51, %sign3A_55 : vector<100x400xi32>
    %sign3A_57 = arith.constant 0 : i32
    %sign3A_58 = arith.cmpi sgt, %jit3A_45, %sign3A_57 : i32
    %sign3A_59 = arith.extui %sign3A_58 : i1 to i32
    %sign3A_60 = arith.constant 0 : i32
    %sign3A_61 = arith.cmpi slt, %jit3A_45, %sign3A_60 : i32
    %sign3A_62 = arith.extui %sign3A_61 : i1 to i32
    %sign3A_63 = arith.subi %sign3A_59, %sign3A_62 : i32
    %ne3A_64 = vector.broadcast %sign3A_63 : i32 to vector<100x400xi32>
    %ne3A_65 = arith.cmpi ne, %sign3A_56, %ne3A_64 : vector<100x400xi32>
    %rem3A_66 = vector.broadcast %jit3A_45 : i32 to vector<100x400xi32>
    %rem3A_67 = arith.remsi %iota3A_17, %rem3A_66 : vector<100x400xi32>
    %ne3A_68 = arith.constant 0 : i32
    %ne3A_69 = vector.broadcast %ne3A_68 : i32 to vector<100x400xi32>
    %ne3A_70 = arith.cmpi ne, %rem3A_67, %ne3A_69 : vector<100x400xi32>
    %and3A_71 = arith.andi %ne3A_65, %ne3A_70 : vector<100x400xi1>
    %sub3A_72 = arith.constant 1 : i32
    %sub3A_73 = vector.broadcast %sub3A_72 : i32 to vector<100x400xi32>
    %sub3A_74 = arith.subi %div3A_47, %sub3A_73 : vector<100x400xi32>
    %select_n3A_75 = arith.select %and3A_71, %sub3A_74, %div3A_47 : vector<100x400xi1>, vector<100x400xi32>
    %eq3A = arith.cmpi eq, %select_n3A_75, %iota3A : vector<100x400xi32>
    %eq3A_76 = arith.constant 0 : i32
    %eq3A_77 = vector.broadcast %eq3A_76 : i32 to vector<100x400xi32>
    %eq3A_78 = arith.cmpi eq, %sub3A_44, %eq3A_77 : vector<100x400xi32>
    %get3A_79 = arith.constant 0 : index
    %get3A_80 = arith.constant 0 : index
    %get3A_81 = vector.load %arg5[%get3A_79, %get3A_80] : memref<1x4xf32, #tpu.memory_space<vmem>>, vector<1x1xf32>
    %get3A_82 = vector.extract %get3A_81[0, 0] : f32 from vector<1x1xf32>
    %eq3A_83 = arith.constant 1 : i32
    %eq3A_84 = vector.broadcast %eq3A_83 : i32 to vector<100x400xi32>
    %eq3A_85 = arith.cmpi eq, %sub3A_44, %eq3A_84 : vector<100x400xi32>
    %get3A_86 = arith.constant 0 : index
    %get3A_87 = arith.constant 1 : index
    %get3A_88 = vector.load %arg5[%get3A_86, %get3A_87] : memref<1x4xf32, #tpu.memory_space<vmem>>, vector<1x1xf32>
    %get3A_89 = vector.extract %get3A_88[0, 0] : f32 from vector<1x1xf32>
    %eq3A_90 = arith.constant 2 : i32
    %eq3A_91 = vector.broadcast %eq3A_90 : i32 to vector<100x400xi32>
    %eq3A_92 = arith.cmpi eq, %sub3A_44, %eq3A_91 : vector<100x400xi32>
    %get3A_93 = arith.constant 0 : index
    %get3A_94 = arith.constant 2 : index
    %get3A_95 = vector.load %arg5[%get3A_93, %get3A_94] : memref<1x4xf32, #tpu.memory_space<vmem>>, vector<1x1xf32>
    %get3A_96 = vector.extract %get3A_95[0, 0] : f32 from vector<1x1xf32>
    %get3A_97 = arith.constant 0 : index
    %get3A_98 = arith.constant 3 : index
    %get3A_99 = vector.load %arg5[%get3A_97, %get3A_98] : memref<1x4xf32, #tpu.memory_space<vmem>>, vector<1x1xf32>
    %get3A_100 = vector.extract %get3A_99[0, 0] : f32 from vector<1x1xf32>
    %broadcast_in_dim3A = vector.broadcast %get3A_96 : f32 to vector<100x400xf32>
    %broadcast_in_dim3A_101 = vector.broadcast %get3A_100 : f32 to vector<100x400xf32>
    %select_n3A_102 = arith.select %eq3A_92, %broadcast_in_dim3A, %broadcast_in_dim3A_101 : vector<100x400xi1>, vector<100x400xf32>
    %broadcast_in_dim3A_103 = vector.broadcast %get3A_89 : f32 to vector<100x400xf32>
    %select_n3A_104 = arith.select %eq3A_85, %broadcast_in_dim3A_103, %select_n3A_102 : vector<100x400xi1>, vector<100x400xf32>
    %broadcast_in_dim3A_105 = vector.broadcast %get3A_82 : f32 to vector<100x400xf32>
    %select_n3A_106 = arith.select %eq3A_78, %broadcast_in_dim3A_105, %select_n3A_104 : vector<100x400xi1>, vector<100x400xf32>
    %jit3A_107 = arith.constant 0.000000e+00 : f32
    %broadcast_in_dim3A_108 = vector.broadcast %jit3A_107 : f32 to vector<100x400xf32>
    %select_n3A_109 = arith.select %eq3A, %select_n3A_106, %broadcast_in_dim3A_108 : vector<100x400xi1>, vector<100x400xf32>
    %eq3A_110 = arith.constant 0 : i32
    %eq3A_111 = vector.broadcast %eq3A_110 : i32 to vector<100x400xi32>
    %eq3A_112 = arith.cmpi eq, %sub3A_44, %eq3A_111 : vector<100x400xi32>
    %get3A_113 = arith.constant 0 : index
    %get3A_114 = arith.constant 0 : index
    %get3A_115 = vector.load %arg7[%get3A_113, %get3A_114] : memref<1x4xf32, #tpu.memory_space<vmem>>, vector<1x1xf32>
    %get3A_116 = vector.extract %get3A_115[0, 0] : f32 from vector<1x1xf32>
    %eq3A_117 = arith.constant 1 : i32
    %eq3A_118 = vector.broadcast %eq3A_117 : i32 to vector<100x400xi32>
    %eq3A_119 = arith.cmpi eq, %sub3A_44, %eq3A_118 : vector<100x400xi32>
    %get3A_120 = arith.constant 0 : index
    %get3A_121 = arith.constant 1 : index
    %get3A_122 = vector.load %arg7[%get3A_120, %get3A_121] : memref<1x4xf32, #tpu.memory_space<vmem>>, vector<1x1xf32>
    %get3A_123 = vector.extract %get3A_122[0, 0] : f32 from vector<1x1xf32>
    %eq3A_124 = arith.constant 2 : i32
    %eq3A_125 = vector.broadcast %eq3A_124 : i32 to vector<100x400xi32>
    %eq3A_126 = arith.cmpi eq, %sub3A_44, %eq3A_125 : vector<100x400xi32>
    %get3A_127 = arith.constant 0 : index
    %get3A_128 = arith.constant 2 : index
    %get3A_129 = vector.load %arg7[%get3A_127, %get3A_128] : memref<1x4xf32, #tpu.memory_space<vmem>>, vector<1x1xf32>
    %get3A_130 = vector.extract %get3A_129[0, 0] : f32 from vector<1x1xf32>
    %get3A_131 = arith.constant 0 : index
    %get3A_132 = arith.constant 3 : index
    %get3A_133 = vector.load %arg7[%get3A_131, %get3A_132] : memref<1x4xf32, #tpu.memory_space<vmem>>, vector<1x1xf32>
    %get3A_134 = vector.extract %get3A_133[0, 0] : f32 from vector<1x1xf32>
    %broadcast_in_dim3A_135 = vector.broadcast %get3A_130 : f32 to vector<100x400xf32>
    %broadcast_in_dim3A_136 = vector.broadcast %get3A_134 : f32 to vector<100x400xf32>
    %select_n3A_137 = arith.select %eq3A_126, %broadcast_in_dim3A_135, %broadcast_in_dim3A_136 : vector<100x400xi1>, vector<100x400xf32>
    %broadcast_in_dim3A_138 = vector.broadcast %get3A_123 : f32 to vector<100x400xf32>
    %select_n3A_139 = arith.select %eq3A_119, %broadcast_in_dim3A_138, %select_n3A_137 : vector<100x400xi1>, vector<100x400xf32>
    %broadcast_in_dim3A_140 = vector.broadcast %get3A_116 : f32 to vector<100x400xf32>
    %select_n3A_141 = arith.select %eq3A_112, %broadcast_in_dim3A_140, %select_n3A_139 : vector<100x400xi1>, vector<100x400xf32>
    %jit3A_142 = arith.constant 0.000000e+00 : f32
    %broadcast_in_dim3A_143 = vector.broadcast %jit3A_142 : f32 to vector<100x400xf32>
    %select_n3A_144 = arith.select %eq3A, %select_n3A_141, %broadcast_in_dim3A_143 : vector<100x400xi1>, vector<100x400xf32>
    %iota3A_145 = tpu.iota {dimensions = array<i32: 1>} : vector<8x400xi32>
    %jit3A_146 = arith.constant 4 : i32
    %div3A_147 = vector.broadcast %jit3A_146 : i32 to vector<8x400xi32>
    %div3A_148 = arith.divsi %iota3A_145, %div3A_147 : vector<8x400xi32>
    %sign3A_149 = arith.constant 0 : i32
    %sign3A_150 = vector.broadcast %sign3A_149 : i32 to vector<8x400xi32>
    %sign3A_151 = arith.cmpi sgt, %iota3A_145, %sign3A_150 : vector<8x400xi32>
    %sign3A_152 = arith.extui %sign3A_151 : vector<8x400xi1> to vector<8x400xi32>
    %sign3A_153 = arith.constant 0 : i32
    %sign3A_154 = vector.broadcast %sign3A_153 : i32 to vector<8x400xi32>
    %sign3A_155 = arith.cmpi slt, %iota3A_145, %sign3A_154 : vector<8x400xi32>
    %sign3A_156 = arith.extui %sign3A_155 : vector<8x400xi1> to vector<8x400xi32>
    %sign3A_157 = arith.subi %sign3A_152, %sign3A_156 : vector<8x400xi32>
    %sign3A_158 = arith.constant 0 : i32
    %sign3A_159 = arith.cmpi sgt, %jit3A_146, %sign3A_158 : i32
    %sign3A_160 = arith.extui %sign3A_159 : i1 to i32
    %sign3A_161 = arith.constant 0 : i32
    %sign3A_162 = arith.cmpi slt, %jit3A_146, %sign3A_161 : i32
    %sign3A_163 = arith.extui %sign3A_162 : i1 to i32
    %sign3A_164 = arith.subi %sign3A_160, %sign3A_163 : i32
    %ne3A_165 = vector.broadcast %sign3A_164 : i32 to vector<8x400xi32>
    %ne3A_166 = arith.cmpi ne, %sign3A_157, %ne3A_165 : vector<8x400xi32>
    %rem3A_167 = vector.broadcast %jit3A_146 : i32 to vector<8x400xi32>
    %rem3A_168 = arith.remsi %iota3A_145, %rem3A_167 : vector<8x400xi32>
    %ne3A_169 = arith.constant 0 : i32
    %ne3A_170 = vector.broadcast %ne3A_169 : i32 to vector<8x400xi32>
    %ne3A_171 = arith.cmpi ne, %rem3A_168, %ne3A_170 : vector<8x400xi32>
    %and3A_172 = arith.andi %ne3A_166, %ne3A_171 : vector<8x400xi1>
    %sub3A_173 = arith.constant 1 : i32
    %sub3A_174 = vector.broadcast %sub3A_173 : i32 to vector<8x400xi32>
    %sub3A_175 = arith.subi %div3A_148, %sub3A_174 : vector<8x400xi32>
    %select_n3A_176 = arith.select %and3A_172, %sub3A_175, %div3A_148 : vector<8x400xi1>, vector<8x400xi32>
    %mul3A_177 = arith.constant 4 : i32
    %mul3A_178 = vector.broadcast %mul3A_177 : i32 to vector<8x400xi32>
    %mul3A_179 = arith.muli %mul3A_178, %select_n3A_176 : vector<8x400xi32>
    %sub3A_180 = arith.subi %iota3A_145, %mul3A_179 : vector<8x400xi32>
    %eq3A_181 = arith.constant 0 : i32
    %eq3A_182 = vector.broadcast %eq3A_181 : i32 to vector<8x400xi32>
    %eq3A_183 = arith.cmpi eq, %sub3A_180, %eq3A_182 : vector<8x400xi32>
    %get3A_184 = arith.constant 0 : index
    %get3A_185 = arith.constant 0 : index
    %get3A_186 = vector.load %arg6[%get3A_184, %get3A_185] : memref<1x4xf32, #tpu.memory_space<vmem>>, vector<1x1xf32>
    %get3A_187 = vector.extract %get3A_186[0, 0] : f32 from vector<1x1xf32>
    %eq3A_188 = arith.constant 1 : i32
    %eq3A_189 = vector.broadcast %eq3A_188 : i32 to vector<8x400xi32>
    %eq3A_190 = arith.cmpi eq, %sub3A_180, %eq3A_189 : vector<8x400xi32>
    %get3A_191 = arith.constant 0 : index
    %get3A_192 = arith.constant 1 : index
    %get3A_193 = vector.load %arg6[%get3A_191, %get3A_192] : memref<1x4xf32, #tpu.memory_space<vmem>>, vector<1x1xf32>
    %get3A_194 = vector.extract %get3A_193[0, 0] : f32 from vector<1x1xf32>
    %eq3A_195 = arith.constant 2 : i32
    %eq3A_196 = vector.broadcast %eq3A_195 : i32 to vector<8x400xi32>
    %eq3A_197 = arith.cmpi eq, %sub3A_180, %eq3A_196 : vector<8x400xi32>
    %get3A_198 = arith.constant 0 : index
    %get3A_199 = arith.constant 2 : index
    %get3A_200 = vector.load %arg6[%get3A_198, %get3A_199] : memref<1x4xf32, #tpu.memory_space<vmem>>, vector<1x1xf32>
    %get3A_201 = vector.extract %get3A_200[0, 0] : f32 from vector<1x1xf32>
    %get3A_202 = arith.constant 0 : index
    %get3A_203 = arith.constant 3 : index
    %get3A_204 = vector.load %arg6[%get3A_202, %get3A_203] : memref<1x4xf32, #tpu.memory_space<vmem>>, vector<1x1xf32>
    %get3A_205 = vector.extract %get3A_204[0, 0] : f32 from vector<1x1xf32>
    %broadcast_in_dim3A_206 = vector.broadcast %get3A_201 : f32 to vector<8x400xf32>
    %broadcast_in_dim3A_207 = vector.broadcast %get3A_205 : f32 to vector<8x400xf32>
    %select_n3A_208 = arith.select %eq3A_197, %broadcast_in_dim3A_206, %broadcast_in_dim3A_207 : vector<8x400xi1>, vector<8x400xf32>
    %broadcast_in_dim3A_209 = vector.broadcast %get3A_194 : f32 to vector<8x400xf32>
    %select_n3A_210 = arith.select %eq3A_190, %broadcast_in_dim3A_209, %select_n3A_208 : vector<8x400xi1>, vector<8x400xf32>
    %broadcast_in_dim3A_211 = vector.broadcast %get3A_187 : f32 to vector<8x400xf32>
    %select_n3A_212 = arith.select %eq3A_183, %broadcast_in_dim3A_211, %select_n3A_210 : vector<8x400xi1>, vector<8x400xf32>
    %slice3A = vector.extract_strided_slice %select_n3A_212 {offsets = [0, 0], sizes = [1, 400], strides = [1, 1]} : vector<8x400xf32> to vector<1x400xf32>
    %dot_general3A = arith.constant dense<0.000000e+00> : vector<1000x400xf32>
    %dot_general3A_213 = tpu.matmul %div3A, %select_n3A_109, %dot_general3A {dimension_numbers = #tpu.dot_dimension_numbers<[1], [0], [0], [1], [0, 0, 1, 1], [], []>, precision = #tpu.contract_precision<fp32>, transpose_lhs_hint = false} : vector<1000x100xf32>, vector<100x400xf32>, vector<1000x400xf32> -> vector<1000x400xf32>
    %dot_general3A_214 = arith.constant dense<0.000000e+00> : vector<1000x400xf32>
    %dot_general3A_215 = tpu.matmul %get3A_16, %select_n3A_144, %dot_general3A_214 {dimension_numbers = #tpu.dot_dimension_numbers<[1], [0], [0], [1], [0, 0, 1, 1], [], []>, precision = #tpu.contract_precision<fp32>, transpose_lhs_hint = false} : vector<1000x100xf32>, vector<100x400xf32>, vector<1000x400xf32> -> vector<1000x400xf32>
    %add3A_216 = arith.addf %dot_general3A_213, %dot_general3A_215 : vector<1000x400xf32>
    %add3A_217 = vector.broadcast %slice3A : vector<1x400xf32> to vector<1000x400xf32>
    %add3A_218 = arith.addf %add3A_216, %add3A_217 : vector<1000x400xf32>
    %max3A_219 = arith.constant 0.000000e+00 : f32
    %max3A_220 = vector.broadcast %max3A_219 : f32 to vector<1000x400xf32>
    %max3A_221 = arith.maximumf %add3A_218, %max3A_220 : vector<1000x400xf32>
    %get3A_222 = arith.constant 0 : index
    %get3A_223 = arith.constant 0 : index
    %get3A_224 = vector.load %arg8[%get3A_222, %get3A_223] : memref<10x400xf32, #tpu.memory_space<vmem>>, vector<10x400xf32>
    %dot_general3A_225 = arith.constant dense<0.000000e+00> : vector<1000x10xf32>
    %dot_general3A_226 = tpu.matmul %max3A_221, %get3A_224, %dot_general3A_225 {dimension_numbers = #tpu.dot_dimension_numbers<[1], [1], [0], [0], [0, 0, 1, 0], [], []>, precision = #tpu.contract_precision<fp32>, transpose_lhs_hint = false} : vector<1000x400xf32>, vector<10x400xf32>, vector<1000x10xf32> -> vector<1000x10xf32>
    %get3A_227 = arith.constant 0 : index
    %get3A_228 = arith.constant 0 : index
    %get3A_229 = vector.load %arg9[%get3A_227, %get3A_228] : memref<1x10xf32, #tpu.memory_space<vmem>>, vector<1x10xf32>
    %add3A_230 = vector.broadcast %get3A_229 : vector<1x10xf32> to vector<1000x10xf32>
    %add3A_231 = arith.addf %dot_general3A_226, %add3A_230 : vector<1000x10xf32>
    %swap3A = arith.constant 0 : index
    %swap3A_232 = arith.constant 0 : index
    %swap3A_233 = vector.load %arg10[%swap3A, %swap3A_232] : memref<1000x10xf32, #tpu.memory_space<vmem>>, vector<1000x10xf32>
    tpu.vector_store %arg10[%swap3A, %swap3A_232], %add3A_231 {strides = array<i32>} : memref<1000x10xf32, #tpu.memory_space<vmem>>, vector<1000x10xf32>,
    return
  }
}

</mosaic_0001>

<sc_bundles>
// kernel: kernel.4.cloned.1.call-start
scs
__scs_entry_jumppad:
0x0: {  	(pc) =	sbr.rel $0x88, $3  }
0x1: {  	(tag) =	ssettag $0x0;
	lr =	simm.s32 $0x1  }
0x2: {  	[smem:$0x3F9A] =	sst lr;
	_ =	strace $0xD0000000  }
0x3: {  	_ = 	snop  }
0x4: {  	_ = 	snop  }
0x5: {  	_ = 	snop  }
0x6: {  	_ = 	snop  }
0x7: {  	_ = 	snop  }
__scs_overlays_trampoline_lowered:
0x8: {  	[smem:$0x3FA9] =	sst s0  }
0x9: {  	[smem:$0x3FAA] =	sst s1  }
0xa: {  	[smem:$0x3FAB] =	sst s2  }
0xb: {  	[smem:$0x3FAC] =	sst s3  }
0xc: {  	[smem:$0x3FAD] =	sst s4  }
0xd: {  	[smem:$0x3FAE] =	sst s5  }
0xe: {  	[smem:$0x3FAF] =	sst s6  }
0xf: {  	[smem:$0x3FB0] =	sst s7  }
0x10: {  	[smem:$0x3FB1] =	sst s8  }
0x11: {  	[smem:$0x3FB2] =	sst s9;
	s0 =	simm.s32 @!p0 $0x0  }
0x12: {  	s1 =	sld [smem:$0x3F98];
	s0 =	simm.s32 @p0 $0x1  }
0x13: {  	[smem:$0x3FB3] =	sst s0;
	s0 =	simm.s32 @!p1 $0x0  }
0x14: {  	s2 =	sld [smem:$0x3F97];
	s0 =	simm.s32 @p1 $0x1  }
0x15: {  	[smem:$0x3FB4] =	sst s0;
	s0 =	simm.s32 @!p2 $0x0  }
0x16: {  	s3 =	sld [smem:$0x3FDB];
	s0 =	simm.s32 @p2 $0x1  }
0x17: {  	s4 =	simm.s32 $0x1BF5;
	[smem:$0x3FB6] =	sst s0  }
0x18: {  	s0 =	sld [smem:$0x3F99];
	_ =	swait.ge [sflag:s4], $0x0  }
0x19: {  	s7 =	sld [smem:$0x3F9A]  }
0x1a: {  	s8 =	sadd.s32 $0xFFFFE003, lr  }
0x1b: {  	s9 =	sadd.s32 $0xFFFFFEF7, lr;
	s5 =	simm.s32 $0xFFFFFFFF;
	p2 =	slt.u32 s8, $0xFFFFF086  }
0x1c: {  	p1 =	slt.u32 s9, $0xF7A;
	s5 =	simm.s32 @!p2 $0x0  }
0x1d: {  	s5 =	simm.s32 @p1 $0x1;
	p0 =	seq.s32 s7, s2  }
0x1e: {  	s7 =	smul.u32 @!p0 $0xF7A, s2;
	p2 =	seq.s32 @!p0 s5, $0x0  }
0x1f: {  	s9 =	smul.u32 $0xF7A, s1;
	s8 =	simm.s32 @!p0 $0x1BF5;
	p2 =	por !p2, p0  }
0x20: {  	[sflag:s8] =	ssyncset.s32 @!p0 $0xFFFFF086;
	s6 =	sadd.s32 @!p0 s3, s7;
	s7 =	simm.s32 @!p0 $0x108  }
0x21: {  	s3 =	sadd.s32 s3, s9;
	s6 =	sadd.s32 @!p0 $0x88, s6;
	s7 =	simm.s32 @p2 $0x1082  }
0x22: {  	[simem:s7], [sflag:s8] =	dma.local @!p0 [hbm:s6], $0xF7A  }
0x23: {  	s9 =	sor.u32 $0xD0000000, s2;
	s6 =	simm.s32 $0x108;
	_ =	swait.ge @!p0 [sflag:s8], $0x0  }
0x24: {  	s3 =	sadd.s32 $0x88, s3;
	s6 =	simm.s32 @!p1 $0x1082;
	[sflag:s4] =	ssyncset.s32 $0xFFFFF086  }
0x25: {  	[simem:s6], [sflag:s4] =	dma.local [hbm:s3], $0xF7A  }
0x26: {  	[smem:$0x3F9A] =	sst s1;
	(tag) =	ssettag s2;
	_ =	strace s9  }
0x27: {  	s1 =	sld [smem:$0x3FAA]  }
0x28: {  	s2 =	sld [smem:$0x3FAB]  }
0x29: {  	s4 =	sld [smem:$0x3FAD]  }
0x2a: {  	p0 =	seq.s32 s5, $0x0;
	s5 =	sld [smem:$0x3FAE]  }
0x2b: {  	s6 =	sld [smem:$0x3FAF]  }
0x2c: {  	s7 =	sld [smem:$0x3FB0]  }
0x2d: {  	s3 =	simm.s32 $0x108;
	s8 =	sld [smem:$0x3FB1]  }
0x2e: {  	s3 =	simm.s32 @!p0 $0x1082;
	s9 =	sld [smem:$0x3FB2]  }
0x2f: {  	lr =	sadd.s32 s0, s3;
	s0 =	sld [smem:$0x3FA9]  }
0x30: {  	s3 =	sld [smem:$0x3FAC]  }
0x31: {  	[smem:$0x3FB5] =	sst s10  }
0x32: {  	s10 =	sld [smem:$0x3FB3];
	_ =	sdelay $0x3  }
0x33: {  	p0 =	seq.s32 s10, $0x1;
	s10 =	sld [smem:$0x3FB5];
	_ =	sdelay $0x3  }
0x34: {  	[smem:$0x3FB5] =	sst s10  }
0x35: {  	s10 =	sld [smem:$0x3FB4];
	_ =	sdelay $0x3  }
0x36: {  	p1 =	seq.s32 s10, $0x1;
	s10 =	sld [smem:$0x3FB5];
	_ =	sdelay $0x3  }
0x37: {  	[smem:$0x3FB5] =	sst s10  }
0x38: {  	s10 =	sld [smem:$0x3FB6]  }
0x39: {  	_ = 	snop;
	(pc) =	sbr.ind lr, $3  }
0x3a: {  	_ = 	snop  }
0x3b: {  	_ = 	snop  }
0x3c: {  	p2 =	seq.s32 s10, $0x1;
	s10 =	sld [smem:$0x3FB5]  }
0x3d: {  	_ =	shalt  }
0x3e: {  	_ =	shalt  }
0x3f: {  	_ =	shalt  }
0x40: {  	_ =	shalt  }
0x41: {  	_ =	shalt  }
0x42: {  	_ =	shalt  }
0x43: {  	_ =	shalt  }
0x44: {  	_ =	shalt  }
0x45: {  	_ =	shalt  }
0x46: {  	_ =	shalt  }
0x47: {  	_ =	shalt  }
0x48: {  	_ =	shalt  }
0x49: {  	_ =	shalt  }
0x4a: {  	_ =	shalt  }
0x4b: {  	_ =	shalt  }
0x4c: {  	_ =	shalt  }
0x4d: {  	_ =	shalt  }
0x4e: {  	_ =	shalt  }
0x4f: {  	_ =	shalt  }
0x50: {  	_ =	shalt  }
0x51: {  	_ =	shalt  }
0x52: {  	_ =	shalt  }
0x53: {  	_ =	shalt  }
0x54: {  	_ =	shalt  }
0x55: {  	_ =	shalt  }
0x56: {  	_ =	shalt  }
0x57: {  	_ =	shalt  }
0x58: {  	_ =	shalt  }
0x59: {  	_ =	shalt  }
0x5a: {  	_ =	shalt  }
0x5b: {  	_ =	shalt  }
0x5c: {  	_ =	shalt  }
0x5d: {  	_ =	shalt  }
0x5e: {  	_ =	shalt  }
0x5f: {  	_ =	shalt  }
0x60: {  	_ =	shalt  }
0x61: {  	_ =	shalt  }
0x62: {  	_ =	shalt  }
0x63: {  	_ =	shalt  }
0x64: {  	_ =	shalt  }
0x65: {  	_ =	shalt  }
0x66: {  	_ =	shalt  }
0x67: {  	_ =	shalt  }
0x68: {  	_ =	shalt  }
0x69: {  	_ =	shalt  }
0x6a: {  	_ =	shalt  }
0x6b: {  	_ =	shalt  }
0x6c: {  	_ =	shalt  }
0x6d: {  	_ =	shalt  }
0x6e: {  	_ =	shalt  }
0x6f: {  	_ =	shalt  }
0x70: {  	_ =	shalt  }
0x71: {  	_ =	shalt  }
0x72: {  	_ =	shalt  }
0x73: {  	_ =	shalt  }
0x74: {  	_ =	shalt  }
0x75: {  	_ =	shalt  }
0x76: {  	_ =	shalt  }
0x77: {  	_ =	shalt  }
0x78: {  	_ =	shalt  }
0x79: {  	_ =	shalt  }
0x7a: {  	_ =	shalt  }
0x7b: {  	_ =	shalt  }
0x7c: {  	_ =	shalt  }
0x7d: {  	_ =	shalt  }
0x7e: {  	_ =	shalt  }
0x7f: {  	_ =	shalt  }
0x80: {  	_ =	shalt  }
0x81: {  	_ =	shalt  }
0x82: {  	_ =	shalt  }
0x83: {  	_ =	shalt  }
0x84: {  	_ =	shalt  }
0x85: {  	_ =	shalt  }
0x86: {  	_ =	shalt  }
0x87: {  	_ =	shalt  }
.Lfunc_end0:
.L_simem_size_0:
called_computation_lowered:
.L_overlay_start_0:
0x88: {  	s2 =	sld [smem:$0x3FD9]  }
0x89: {  	s3 =	sld [smem:$0x3FFE];
	_ =	sdelay $0x1  }
0x8a: {  	s1 =	srdreg.scid  }
0x8b: {  	s0 =	sand.u32 $0x1, s1  }
0x8c: {  	s16 =	sshll.u32 s0, $0xA;
	s2 =	sadd.s32 s3, s2  }
0x8d: {  	s2 =	sadd.s32 s2, s16  }
0x8e: {  	[smem:$0x3FC1] =	sst s2  }
0x8f: {  	_ = 	snop  }
0x90: {  	(tm) =	ssettm $0x1  }
0x91: {  	s17 =	sld [smem:$0x3FFB];
	_ =	sdelay $0x3  }
0x92: {  	_ =	strace s17  }
0x93: {  	s2 =	sld [smem:$0x3FFC];
	_ =	sdelay $0x3  }
0x94: {  	_ =	strace s2  }
0x95: {  	s2 =	sld [smem:$0x3FFD];
	_ =	sdelay $0x3  }
0x96: {  	_ =	strace s2  }
0x97: {  	_ =	strace $0x8FFFFFFF  }
0x98: {  	s18 =	sld [smem:$0x3FDB];
	_ =	sdelay $0x1  }
0x99: {  	s19 =	simm.s32 $_scs_section_size  }
0x9a: {  	s4 =	simm.s32 $_size__tile_overlayer_lowered;
	s5 =	simm.s32 $_tile_overlayer_lowered  }
0x9b: {  	s22 =	simm.s32 $0x1BFF;
	s21 =	sshll.u32 s5, $0x1;
	s2 =	sadd.s32 s19, s18  }
0x9c: {  	s6 =	simm.s32 $0x0;
	s20 =	sshll.u32 s4, $0x1;
	s4 =	sadd.s32 s21, s2  }
0x9d: {  	[timem:s6], [sflag:s22] =	dma.local [hbm:s4], s20  }
0x9e: {  	_ =	swait.ge [sflag:s22], s20  }
0x9f: {  	s3 =	ssub.s32 $0x0, s20;
	[sflag:s22] =	ssyncset.done $0x0  }
0xa0: {  	[sflag:s22] =	ssyncadd.s32 s3;
	_ =	sdelay $0x1  }
0xa1: {  	s23 =	simm.s32 $0x1B8B  }
0xa2: {  	_ =	swait.ge [sflag:s23], $0x1  }
0xa3: {  	[sflag:s23] =	ssyncset.done $0x0  }
0xa4: {  	s25 =	simm.s32 $0x1B8E;
	s24 =	sld [smem:$0x3FFE];
	[sflag:s23] =	ssyncadd.s32 $0xFFFFFFFF  }
0xa5: {  	s26 =	simm.s32 $execute0_lowered;
	[smem:$0x3FD2] =	sst s25  }
0xa6: {  	s4 =	sshll.u32 s26, $0x1;
	_ =	strace $0x80000046;
	[dreg:$0x1] =	wrdreg $0xFFFFFFFF  }
0xa7: {  	s28 =	simm.s32 $_size_execute0_lowered;
	s2 =	sadd.s32 s2, s4;
	[dreg:$0x0] =	wrdreg $0x0  }
0xa8: {  	s4 =	sshll.u32 s28, $0x1;
	[dreg:$0x2] =	wrdreg s2  }
0xa9: {  	[dreg:$0x3] =	wrdreg s4  }
0xaa: {  	[dreg:$0x4] =	wrdreg $0xC0  }
0xab: {  	_ =	task [dreg:s6], $0x5FFFF  }
0xac: {  	[dreg:$0x1] =	wrdreg $0xFFFFFFFF  }
0xad: {  	[dreg:$0x0] =	wrdreg $0x60  }
0xae: {  	[dreg:$0x2] =	wrdreg s24  }
0xaf: {  	[dreg:$0x3] =	wrdreg $0x60000  }
0xb0: {  	[dreg:$0x4] =	wrdreg $0x128000  }
0xb1: {  	[dreg:$0x5] =	wrdreg $0x9  }
0xb2: {  	_ =	task.clear_ibuf [dreg:s6], $0x6FFFF;
	_ =	strace $0x90000046  }
0xb3: {  	s29 =	simm.s32 $0x9;
	_ =	strace $0x80000048  }
0xb4: {  	_ =	swait.ge [sflag:s29], $0x1  }
0xb5: {  	[sflag:s29] =	ssyncadd.s32 $0xFFFFFFFF  }
0xb6: {  	_ =	strace $0x90000048  }
0xb7: {  	_ =	sfence  }
0xb8: {  	s30 =	sld [smem:$0x0];
	_ =	sdelay $0x2  }
0xb9: {  	s31 =	sshll.u32 s1, $0xD;
	s1 =	sshrl.u32 s1, $0x2  }
0xba: {  	s3 =	sand.u32 $0x4000, s31;
	s1 =	sadd.s32 s1, s30  }
0xbb: {  	s0 =	sor.u32 s3, s0;
	s1 =	sshll.u32 s1, $0x11  }
0xbc: {  	s0 =	sor.u32 s1, s0  }
0xbd: {  	s0 =	sadd.s32 $0x8F2B, s0  }
0xbe: {  	[sflag:s0] =	ssyncadd.remote.s32 $0x1  }
0xbf: {  	_ =	sfence.sel $0xFFFF  }
0xc0: {  	[dreg:$0x0] =	wrdreg $0xFFFFFFFF;
	(pc) =	sbr.abs _section_cstart, $3  }
0xc1: {  	[dreg:$0x1] =	wrdreg $0xFFFFFFFF  }
0xc2: {  	_ =	task.clear_ibuf [dreg:s6], $0x2FFFF;
	_ =	strace $0x9FFFFFFF  }
0xc3: {  	(tm) =	ssettm $0x7FFFFFFF  }
tec
execute0_lowered:
.L_overlay_start_1:
0x0: {  	(tag) =	ssettag $0x1  }
0x1: {  	s0 =	rddreg [dreg:$0x0]  }
0x2: {  	s2 =	rddreg [dreg:$0x1]  }
0x3: {  	s3 =	rddreg [dreg:$0x2]  }
0x4: {  	s11 =	stileid.u32;
	s4 =	srdreg.scid;
	s5 =	simm.s32 $0x0  }
0x5: {  	s28 =	simm.s32 $0x1;
	s29 =	simm.s32 $0x6;
	s30 =	simm.s32 $0x4  }
0x6: {  	s1 =	smul.u32 $0xC800, s11;
	s4 =	sand.u32 $0x1, s4;
	[smem:$0x7FF] =	sst s5  }
0x7: {  	s5 =	sadd.s32 $0x1A200, s0;
	s10 =	sshll.u32 s11, $0x1;
	s22 =	sshll.u32 s11, $0x6  }
0x8: {  	s25 =	sshll.u32 s11, $0xB;
	s31 =	sadd.s32 $0x1A240, s0;
	s6 =	smul.u32 $0xC8000, s4  }
0x9: {  	_ =	strace $0x80000047;
	s8 =	ssub.s32 $0x2, s4;
	s12 =	sor.u32 s4, s10  }
0xa: {  	[dreg:$0xa] =	wrdreg s31;
	s20 =	sshrl.u32 s1, $0x3;
	s9 =	sshrl.u32 s8, $0x1  }
0xb: {  	[dreg:$0x4] =	wrdreg s12;
	s24 =	sshll.u32 s12, $0x7;
	s6 =	sadd.s32 s1, s6  }
0xc: {  	s8 =	ssub.s32 s8, s9;
	s9 =	sadd.s32 s1, s2;
	s1 =	sadd.s32 s1, s3  }
0xd: {  	s7 =	sadd.s32 s20, s0;
	s14 =	sadd.s32 s5, s24;
	[dreg:$0x7] =	wrdreg s1  }
0xe: {  	s13 =	sor.u32 $0x1C08, s22;
	s21 =	sadd.s32 $0x1200, s7;
	[dreg:$0x9] =	wrdreg s14  }
0xf: {  	s26 =	sshll.u32 s4, $0xA;
	s23 =	sadd.s32 $0xDD800, s7;
	[dreg:$0x5] =	wrdreg s21  }
0x10: {  	s4 =	sshll.u32 s4, $0x7;
	s1 =	sadd.s32 s24, s31;
	[dreg:$0x8] =	wrdreg s23  }
0x11: {  	s6 =	sshrl.u32 s6, $0x3;
	s12 =	smax.u32 s8, $0x1;
	[dreg:$0xb] =	wrdreg s1  }
0x12: {  	s24 =	sshll.u32 s11, $0x8;
	s9 =	sshrl.u32 s9, $0x3;
	[dreg:$0xd] =	wrdreg s12  }
0x13: {  	s11 =	sadd.s32 $0x61AC0, s14;
	s6 =	sadd.s32 s6, s0;
	[dreg:$0xf] =	wrdreg s9  }
0x14: {  	s0 =	sor.u32 s26, s25;
	s12 =	smov.u32 s5;
	[dreg:$0x11] =	wrdreg s11  }
0x15: {  	s11 =	simm.s32 $0x7;
	s10 =	sadd.s32 $0x335600, s0;
	s15 =	sadd.s32 $0x335400, s0  }
0x16: {  	s7 =	sadd.s32 $0xF6800, s6;
	s18 =	sor.u32 $0x28000, s0;
	s20 =	sadd.s32 $0x325400, s0  }
0x17: {  	s22 =	sadd.s32 $0x325600, s0;
	s6 =	sadd.s32 s24, s5;
	s26 =	sadd.s32 $0x32D400, s0  }
0x18: {  	s24 =	sadd.s32 $0x62A80, s14;
	[dreg:$0xc] =	wrdreg s7;
	s1 =	sshrl.u32 s10, $0x3  }
0x19: {  	s17 =	sshrl.u32 s15, $0x3;
	s19 =	sshrl.u32 s18, $0x3;
	s21 =	sshrl.u32 s20, $0x3  }
0x1a: {  	s23 =	sshrl.u32 s22, $0x3;
	s7 =	sadd.s32 $0x32D600, s0;
	s20 =	sadd.s32 s4, s6  }
0x1b: {  	s31 =	sshrl.u32 s26, $0x3;
	s4 =	sadd.s32 $0x31D400, s0;
	s6 =	sadd.s32 $0x31D600, s0  }
0x1c: {  	s0 =	sor.u32 $0x20000, s0;
	s10 =	sadd.s32 $0x61A80, s14;
	s15 =	sadd.s32 $0x1040, s14  }
0x1d: {  	[dreg:$0x14] =	wrdreg s24;
	s24 =	simm.s32 $0x3000;
	s16 =	sadd.s32 s1, s5  }
0x1e: {  	s17 =	sadd.s32 s17, s5;
	s18 =	sadd.s32 s19, s5;
	s19 =	sadd.s32 s21, s5  }
0x1f: {  	s25 =	sshrl.u32 s7, $0x3;
	s21 =	sadd.s32 s23, s5;
	s23 =	sadd.s32 s31, s5  }
0x20: {  	[dreg:$0xe] =	wrdreg s0;
	s7 =	sshrl.u32 s4, $0x3;
	s8 =	sshrl.u32 s6, $0x3  }
0x21: {  	s1 =	smov.u32 s13;
	[dreg:$0x10] =	wrdreg s10;
	s13 =	sadd.s32 $0x1000, s14  }
.Ltmp0:
0x22: {  	[dreg:$0x13] =	wrdreg s15;
	s31 =	sadd.s32 $0x62AC0, s14;
	(pc) =	sbr.rel .LBB2_1-.Ltmp0, $4  }
0x23: {  	s10 =	simm.s32 $0x200;
	s14 =	simm.s32 $0x2;
	s15 =	simm.s32 $0x2000  }
0x24: {  	s4 =	simm.s32 $0x0;
	s22 =	sadd.s32 s25, s5;
	[dreg:$0x12] =	wrdreg s13  }
0x25: {  	s25 =	sadd.s32 s7, s5;
	s26 =	sadd.s32 s8, s5;
	[dreg:$0x15] =	wrdreg s31  }
0x26: {  	s5 =	simm.s32 $0x8;
	s8 =	simm.s32 $0x5;
	[dreg:$0x6] =	wrdreg s1  }
.LBB2_11:
0x27: {  	[bflag:$0x0] =	sbarrier.arrive $0xFFFF  }
0x28: {  	s1 =	rddreg [dreg:$0x6]  }
0x29: {  	s0 =	rddreg [dreg:$0xc]  }
0x2a: {  	s5 =	simm.s32 $0x8;
	s4 =	rddreg [dreg:$0x17]  }
0x2b: {  	[hbm:s0], [sflag:s1] =	dma.local [spmem:s4], $0x1900  }
0x2c: {  	_ =	swait.ge [sflag:s5], $0x1900  }
0x2d: {  	s13 =	rddreg [dreg:$0x16]  }
0x2e: {  	s31 =	rddreg [dreg:$0xd];
	s4 =	sadd.s32 $0x1, s13  }
0x2f: {  	p0 =	sne.s32 s4, s31  }
.Ltmp1:
0x30: {  	_ = 	snop;
	(pc) =	sbr.rel @!p0 .LBB2_12-.Ltmp1, $3  }
0x31: {  	_ =	sdelay $0x1  }
0x32: {  	[sflag:s5] =	ssyncset.done $0x0  }
0x33: {  	[sflag:s5] =	ssyncadd.s32 $0xFFFFE700  }
.LBB2_1:
0x34: {  	[dreg:$0x16] =	wrdreg s4  }
0x35: {  	s0 =	rddreg [dreg:$0x5]  }
0x36: {  	s6 =	rddreg [dreg:$0xf]  }
0x37: {  	[spmem:s6], [sflag:s1] =	dma.local [hbm:s0], $0x1900  }
0x38: {  	_ =	swait.ge [sflag:s5], $0x1900  }
0x39: {  	s7 =	rddreg [dreg:$0x7]  }
0x3a: {  	[sflag:s5] =	ssyncset.done $0x0;
	s13 =	rddreg [dreg:$0x8];
	s9 =	sshrl.u32 s7, $0x3  }
0x3b: {  	[sflag:s5] =	ssyncadd.s32 $0xFFFFE700;
	[dreg:$0x17] =	wrdreg s9  }
0x3c: {  	[spmem:s9], [sflag:s1] =	dma.local [hbm:s13], $0x1900  }
0x3d: {  	_ =	swait.ge [sflag:s5], $0x1900  }
0x3e: {  	[sflag:s5] =	ssyncset.done $0x0  }
0x3f: {  	[sflag:s5] =	ssyncadd.s32 $0xFFFFE700  }
0x40: {  	[bflag:$0x0] =	sbarrier.arrive $0xFFFF  }
0x41: {  	s31 =	rddreg [dreg:$0x9]  }
0x42: {  	s0 =	simm.s32 $0x0;
	s4 =	rddreg [dreg:$0xb]  }
0x43: {  	[tilespmem:s0], [sflag:$0x2] =	stream.linear.gather [hbm4b:s31+s0], $0x200, $0x38;
	[tilespmem:$0x1F000] =	vst v63  }
0x44: {  	s5 =	rddreg [dreg:$0x10]  }
0x45: {  	[tilespmem:s10], [sflag:$0x2] =	stream.linear.gather [hbm4b:s4+s0], $0x200, $0x38;
	[tilespmem:$0x1F000] =	vst v63  }
0x46: {  	s6 =	simm.s32 $0x400;
	s7 =	rddreg [dreg:$0x11]  }
0x47: {  	[tilespmem:s6], [sflag:$0x2] =	stream.linear.gather [hbm4b:s5+s0], $0x200, $0x38;
	[tilespmem:$0x1F000] =	vst v63  }
0x48: {  	s9 =	simm.s32 $0x600;
	s13 =	rddreg [dreg:$0x12]  }
0x49: {  	[tilespmem:s9], [sflag:$0x2] =	stream.linear.gather [hbm4b:s7+s0], $0x200, $0x38;
	[tilespmem:$0x1F000] =	vst v63  }
0x4a: {  	s1 =	rddreg [dreg:$0xe];
	s31 =	simm.s32 $0x800  }
0x4b: {  	[tilespmem:s31], [sflag:$0x3] =	stream.linear.gather [hbm4b:s13+s0], $0x200, $0x38;
	[tilespmem:$0x1F000] =	vst v63  }
0x4c: {  	s5 =	rddreg [dreg:$0x13];
	s6 =	simm.s32 $0xA00  }
0x4d: {  	[tilespmem:s6], [sflag:$0x3] =	stream.linear.gather [hbm4b:s5+s0], $0x200, $0x38;
	[tilespmem:$0x1F000] =	vst v63  }
.Ltmp2:
0x4e: {  	s7 =	rddreg [dreg:$0x14];
	(pc) =	sbr.rel .LBB2_2-.Ltmp2, $4  }
0x4f: {  	s9 =	simm.s32 $0xC00;
	s13 =	rddreg [dreg:$0x15]  }
0x50: {  	[tilespmem:s9], [sflag:$0x3] =	stream.linear.gather [hbm4b:s7+s0], $0x200, $0x38;
	[tilespmem:$0x1F000] =	vst v63  }
0x51: {  	s31 =	simm.s32 $0xE00;
	s7 =	rddreg [dreg:$0x4];
	s9 =	simm.s32 $0x0  }
0x52: {  	[tilespmem:s31], [sflag:$0x3] =	stream.linear.gather [hbm4b:s13+s0], $0x200, $0x38;
	[tilespmem:$0x1F000] =	vst v63  }
.LBB2_7:
0x53: {  	_ =	swait.ge [sflag:s8], $0x200  }
0x54: {  	[sflag:s8] =	ssyncset.done $0x0  }
0x55: {  	[sflag:s8] =	ssyncadd.s32 $0xFFFFFE00  }
0x56: {  	_ =	swait.ge [sflag:s8], $0x200  }
0x57: {  	[sflag:s8] =	ssyncset.done $0x0  }
0x58: {  	[sflag:s8] =	ssyncadd.s32 $0xFFFFFE00  }
0x59: {  	_ =	swait.ge [sflag:s8], $0x200  }
0x5a: {  	[sflag:s8] =	ssyncset.done $0x0  }
0x5b: {  	[sflag:s8] =	ssyncadd.s32 $0xFFFFFE00  }
0x5c: {  	_ =	swait.ge [sflag:s8], $0x200  }
0x5d: {  	[sflag:s8] =	ssyncset.done $0x0  }
0x5e: {  	s0 =	simm.s32 $0x1800;
	s5 =	simm.s32 $0x4000;
	[sflag:s8] =	ssyncadd.s32 $0xFFFFFE00  }
0x5f: {  	[tilespmem:s5], [sflag:$0x1] =	stream.indirect.gather [spmem:s2], $0x8, s0, s10, $0xb8;
	[tilespmem:$0x1F000] =	vst v63  }
0x60: {  	s31 =	simm.s32 $0x1A00;
	s6 =	simm.s32 $0x5000  }
0x61: {  	[tilespmem:s6], [sflag:$0x1] =	stream.indirect.gather [spmem:s2], $0x8, s31, s10, $0xb8;
	[tilespmem:$0x1F000] =	vst v63  }
0x62: {  	_ =	swait.ge [sflag:s28], $0x1000  }
0x63: {  	[sflag:s28] =	ssyncset.done $0x0  }
0x64: {  	s13 =	simm.s32 $0x1C00;
	[sflag:s28] =	ssyncadd.s32 $0xFFFFF000  }
0x65: {  	[spmem:s3] =	stream.indirect.scatter.add.f32 [tilespmem:s5], [sflag:$0x7], $0x8, s13, s10, $0xb8;
	[tilespmem:$0x1F000] =	vst v63  }
0x66: {  	_ =	swait.ge [sflag:s28], $0x1000  }
0x67: {  	[sflag:s28] =	ssyncset.done $0x0  }
0x68: {  	s31 =	simm.s32 $0x1E00;
	[sflag:s28] =	ssyncadd.s32 $0xFFFFF000  }
0x69: {  	[spmem:s3] =	stream.indirect.scatter.add.f32 [tilespmem:s6], [sflag:$0x7], $0x8, s31, s10, $0xb8;
	[tilespmem:$0x1F000] =	vst v63  }
.LBB2_9:
0x6a: {  	_ =	swait.ge [sflag:s29], $0x1000  }
0x6b: {  	[sflag:s29] =	ssyncset.done $0x0  }
0x6c: {  	[sflag:s29] =	ssyncadd.s32 $0xFFFFF000  }
0x6d: {  	p0 =	sgt.u32 s4, $0xBF4;
	_ =	swait.ge [sflag:s29], $0x1000  }
0x6e: {  	s0 =	sadd.s32 @!p0 s9, s18;
	[sflag:s29] =	ssyncset.done $0x0  }
0x6f: {  	s4 =	simm.s32 @!p0 $0x0;
	s5 =	simm.s32 @!p0 $0x800;
	[sflag:s29] =	ssyncadd.s32 $0xFFFFF000  }
0x70: {  	[tilespmem:s5], [sflag:$0x3] =	stream.linear.gather @!p0 [hbm4b:s0+s4], $0x200, $0x38;
	[tilespmem:$0x1F000] =	vst v63  }
0x71: {  	s0 =	sadd.s32 @!p0 $0x40, s0;
	s5 =	simm.s32 @!p0 $0xA00  }
0x72: {  	[tilespmem:s5], [sflag:$0x3] =	stream.linear.gather @!p0 [hbm4b:s0+s4], $0x200, $0x38;
	[tilespmem:$0x1F000] =	vst v63  }
0x73: {  	s0 =	sadd.s32 @!p0 s9, s17;
	s5 =	simm.s32 @!p0 $0xC00  }
0x74: {  	[tilespmem:s5], [sflag:$0x3] =	stream.linear.gather @!p0 [hbm4b:s0+s4], $0x200, $0x38;
	[tilespmem:$0x1F000] =	vst v63  }
0x75: {  	s0 =	sadd.s32 @!p0 s9, s16;
	s5 =	simm.s32 @!p0 $0xE00  }
0x76: {  	[tilespmem:s5], [sflag:$0x3] =	stream.linear.gather @!p0 [hbm4b:s0+s4], $0x200, $0x38;
	[tilespmem:$0x1F000] =	vst v63  }
.LBB2_10:
0x77: {  	s9 =	sadd.s32 $0x4000, s9  }
0x78: {  	p0 =	sne.s32 s9, $0x64000  }
.Ltmp3:
0x79: {  	_ = 	snop;
	(pc) =	sbr.rel @!p0 .LBB2_11-.Ltmp3, $2  }
0x7a: {  	_ =	sdelay $0x2  }
0x7b: {  	s7 =	sadd.s32 $0x80, s7;
	s1 =	sadd.s32 $0x20000, s1  }
.LBB2_2:
0x7c: {  	_ =	swait.ge [sflag:s14], $0x200  }
0x7d: {  	[sflag:s14] =	ssyncset.done $0x0  }
0x7e: {  	[sflag:s14] =	ssyncadd.s32 $0xFFFFFE00  }
0x7f: {  	_ =	swait.ge [sflag:s14], $0x200  }
0x80: {  	[sflag:s14] =	ssyncset.done $0x0  }
0x81: {  	[sflag:s14] =	ssyncadd.s32 $0xFFFFFE00  }
0x82: {  	_ =	swait.ge [sflag:s14], $0x200  }
0x83: {  	[sflag:s14] =	ssyncset.done $0x0  }
0x84: {  	[sflag:s14] =	ssyncadd.s32 $0xFFFFFE00  }
0x85: {  	_ =	swait.ge [sflag:s14], $0x200  }
0x86: {  	[sflag:s14] =	ssyncset.done $0x0  }
0x87: {  	s0 =	simm.s32 $0x0;
	[sflag:s14] =	ssyncadd.s32 $0xFFFFFE00  }
0x88: {  	[tilespmem:s15], [sflag:$0x1] =	stream.indirect.gather [spmem:s2], $0x8, s0, s10, $0xb8;
	[tilespmem:$0x1F000] =	vst v63  }
0x89: {  	_ = 	snop  }
0x8a: {  	[tilespmem:s24], [sflag:$0x1] =	stream.indirect.gather [spmem:s2], $0x8, s10, s10, $0xb8;
	[tilespmem:$0x1F000] =	vst v63  }
0x8b: {  	_ =	swait.ge [sflag:s28], $0x1000  }
0x8c: {  	[sflag:s28] =	ssyncset.done $0x0  }
0x8d: {  	s13 =	simm.s32 $0x400;
	[sflag:s28] =	ssyncadd.s32 $0xFFFFF000  }
0x8e: {  	[spmem:s3] =	stream.indirect.scatter.add.f32 [tilespmem:s15], [sflag:$0x6], $0x8, s13, s10, $0xb8;
	[tilespmem:$0x1F000] =	vst v63  }
0x8f: {  	_ =	swait.ge [sflag:s28], $0x1000  }
0x90: {  	p1 =	seq.s32 s9, $0x0;
	[sflag:s28] =	ssyncset.done $0x0  }
0x91: {  	s31 =	simm.s32 $0x600;
	s4 =	simm.s32 @!p1 $0x7;
	[sflag:s28] =	ssyncadd.s32 $0xFFFFF000  }
0x92: {  	[spmem:s3] =	stream.indirect.scatter.add.f32 [tilespmem:s24], [sflag:$0x6], $0x8, s31, s10, $0xb8;
	[tilespmem:$0x1F000] =	vst v63  }
0x93: {  	_ =	swait.ge @!p1 [sflag:s4], $0x1000  }
0x94: {  	[sflag:s4] =	ssyncset.done @!p1 $0x0  }
0x95: {  	[sflag:s4] =	ssyncadd.s32 @!p1 $0xFFFFF000  }
0x96: {  	s13 =	sadd.s32 $0x40, s7;
	_ =	swait.ge @!p1 [sflag:s4], $0x1000  }
0x97: {  	p0 =	sgt.u32 s13, $0xC34;
	[sflag:s4] =	ssyncset.done @!p1 $0x0  }
0x98: {  	[sflag:s4] =	ssyncadd.s32 @!p1 $0xFFFFF000;
	s4 =	sadd.s32 @!p0 s9, s20  }
0x99: {  	s0 =	simm.s32 @!p0 $0x1000;
	s31 =	simm.s32 @!p0 $0x0;
	s6 =	sadd.s32 @!p0 $0x2000, s4  }
0x9a: {  	[tilespmem:s0], [sflag:$0x4] =	stream.linear.gather @!p0 [hbm4b:s6+s31], $0x200, $0x38;
	[tilespmem:$0x1F000] =	vst v63  }
0x9b: {  	s0 =	sadd.s32 @!p0 $0x2040, s4;
	s4 =	simm.s32 @!p0 $0x1200  }
0x9c: {  	[tilespmem:s4], [sflag:$0x4] =	stream.linear.gather @!p0 [hbm4b:s0+s31], $0x200, $0x38;
	[tilespmem:$0x1F000] =	vst v63  }
0x9d: {  	s0 =	sadd.s32 @!p0 s9, s25;
	s4 =	simm.s32 @!p0 $0x1400  }
0x9e: {  	[tilespmem:s4], [sflag:$0x4] =	stream.linear.gather @!p0 [hbm4b:s0+s31], $0x200, $0x38;
	[tilespmem:$0x1F000] =	vst v63  }
0x9f: {  	p1 =	sgt.u32 s7, $0xC14;
	s0 =	sadd.s32 @!p0 s9, s26;
	s4 =	simm.s32 @!p0 $0x1600  }
0xa0: {  	[tilespmem:s4], [sflag:$0x4] =	stream.linear.gather @!p0 [hbm4b:s0+s31], $0x200, $0x38;
	[tilespmem:$0x1F000] =	vst v63  }
0xa1: {  	s0 =	simm.s32 @!p1 $0x3  }
0xa2: {  	_ =	swait.ge @!p1 [sflag:s0], $0x200  }
0xa3: {  	[sflag:s0] =	ssyncset.done @!p1 $0x0  }
0xa4: {  	[sflag:s0] =	ssyncadd.s32 @!p1 $0xFFFFFE00  }
0xa5: {  	_ =	swait.ge @!p1 [sflag:s0], $0x200  }
0xa6: {  	[sflag:s0] =	ssyncset.done @!p1 $0x0  }
0xa7: {  	[sflag:s0] =	ssyncadd.s32 @!p1 $0xFFFFFE00  }
0xa8: {  	_ =	swait.ge @!p1 [sflag:s0], $0x200  }
0xa9: {  	[sflag:s0] =	ssyncset.done @!p1 $0x0  }
0xaa: {  	[sflag:s0] =	ssyncadd.s32 @!p1 $0xFFFFFE00  }
0xab: {  	_ =	swait.ge @!p1 [sflag:s0], $0x200  }
0xac: {  	s6 =	simm.s32 @!p1 $0x4000;
	[sflag:s0] =	ssyncset.done @!p1 $0x0  }
0xad: {  	s4 =	simm.s32 @!p1 $0x800;
	[sflag:s0] =	ssyncadd.s32 @!p1 $0xFFFFFE00;
	s0 =	simm.s32 @!p1 $0x200  }
0xae: {  	[tilespmem:s6], [sflag:$0x1] =	stream.indirect.gather @!p1 [spmem:s2], $0x8, s4, s0, $0xb8;
	[tilespmem:$0x1F000] =	vst v63  }
0xaf: {  	s31 =	simm.s32 @!p1 $0x5000;
	s4 =	simm.s32 @!p1 $0xA00  }
0xb0: {  	[tilespmem:s31], [sflag:$0x1] =	stream.indirect.gather @!p1 [spmem:s2], $0x8, s4, s0, $0xb8;
	[tilespmem:$0x1F000] =	vst v63  }
0xb1: {  	s4 =	simm.s32 @!p1 $0x1  }
0xb2: {  	_ =	swait.ge @!p1 [sflag:s4], $0x1000  }
0xb3: {  	[sflag:s4] =	ssyncset.done @!p1 $0x0  }
0xb4: {  	s5 =	simm.s32 @!p1 $0xC00;
	[sflag:s4] =	ssyncadd.s32 @!p1 $0xFFFFF000  }
0xb5: {  	[spmem:s3] =	stream.indirect.scatter.add.f32 @!p1 [tilespmem:s6], [sflag:$0x7], $0x8, s5, s0, $0xb8;
	[tilespmem:$0x1F000] =	vst v63  }
0xb6: {  	_ =	swait.ge @!p1 [sflag:s4], $0x1000  }
0xb7: {  	[sflag:s4] =	ssyncset.done @!p1 $0x0  }
0xb8: {  	[sflag:s4] =	ssyncadd.s32 @!p1 $0xFFFFF000;
	s4 =	simm.s32 @!p1 $0xE00  }
0xb9: {  	[spmem:s3] =	stream.indirect.scatter.add.f32 @!p1 [tilespmem:s31], [sflag:$0x7], $0x8, s4, s0, $0xb8;
	[tilespmem:$0x1F000] =	vst v63  }
0xba: {  	_ =	swait.ge [sflag:s29], $0x1000  }
0xbb: {  	[sflag:s29] =	ssyncset.done $0x0  }
0xbc: {  	s4 =	sadd.s32 $0x60, s7;
	[sflag:s29] =	ssyncadd.s32 $0xFFFFF000  }
0xbd: {  	p1 =	sgt.u32 s4, $0xC34;
	_ =	swait.ge [sflag:s29], $0x1000  }
0xbe: {  	s0 =	sadd.s32 @!p1 s9, s20;
	s6 =	simm.s32 @!p1 $0x0;
	[sflag:s29] =	ssyncset.done $0x0  }
0xbf: {  	s31 =	simm.s32 @!p1 $0x1800;
	s5 =	sadd.s32 @!p1 $0x3000, s0;
	[sflag:s29] =	ssyncadd.s32 $0xFFFFF000  }
0xc0: {  	[tilespmem:s31], [sflag:$0x5] =	stream.linear.gather @!p1 [hbm4b:s5+s6], $0x200, $0x38;
	[tilespmem:$0x1F000] =	vst v63  }
0xc1: {  	s0 =	sadd.s32 @!p1 $0x3040, s0;
	s5 =	simm.s32 @!p1 $0x1A00  }
0xc2: {  	[tilespmem:s5], [sflag:$0x5] =	stream.linear.gather @!p1 [hbm4b:s0+s6], $0x200, $0x38;
	[tilespmem:$0x1F000] =	vst v63  }
.Ltmp4:
0xc3: {  	_ = 	snop;
	(pc) =	sbr.rel @p0 .LBB2_4-.Ltmp4, $4  }
0xc4: {  	s0 =	sadd.s32 @!p1 s9, s19;
	s5 =	simm.s32 @!p1 $0x1C00  }
0xc5: {  	[tilespmem:s5], [sflag:$0x5] =	stream.linear.gather @!p1 [hbm4b:s0+s6], $0x200, $0x38;
	[tilespmem:$0x1F000] =	vst v63  }
0xc6: {  	s0 =	sadd.s32 @!p1 s9, s21;
	s5 =	simm.s32 @!p1 $0x1E00  }
0xc7: {  	[tilespmem:s5], [sflag:$0x5] =	stream.linear.gather @!p1 [hbm4b:s0+s6], $0x200, $0x38;
	[tilespmem:$0x1F000] =	vst v63  }
0xc8: {  	_ =	swait.ge [sflag:s30], $0x200  }
0xc9: {  	[sflag:s30] =	ssyncset.done $0x0  }
0xca: {  	[sflag:s30] =	ssyncadd.s32 $0xFFFFFE00  }
0xcb: {  	_ =	swait.ge [sflag:s30], $0x200  }
0xcc: {  	[sflag:s30] =	ssyncset.done $0x0  }
0xcd: {  	[sflag:s30] =	ssyncadd.s32 $0xFFFFFE00  }
0xce: {  	_ =	swait.ge [sflag:s30], $0x200  }
0xcf: {  	[sflag:s30] =	ssyncset.done $0x0  }
0xd0: {  	[sflag:s30] =	ssyncadd.s32 $0xFFFFFE00  }
0xd1: {  	_ =	swait.ge [sflag:s30], $0x200  }
0xd2: {  	[sflag:s30] =	ssyncset.done $0x0  }
0xd3: {  	s0 =	simm.s32 $0x1000;
	[sflag:s30] =	ssyncadd.s32 $0xFFFFFE00  }
0xd4: {  	[tilespmem:s15], [sflag:$0x1] =	stream.indirect.gather [spmem:s2], $0x8, s0, s10, $0xb8;
	[tilespmem:$0x1F000] =	vst v63  }
0xd5: {  	s5 =	simm.s32 $0x1200  }
0xd6: {  	[tilespmem:s24], [sflag:$0x1] =	stream.indirect.gather [spmem:s2], $0x8, s5, s10, $0xb8;
	[tilespmem:$0x1F000] =	vst v63  }
0xd7: {  	_ =	swait.ge [sflag:s28], $0x1000  }
0xd8: {  	[sflag:s28] =	ssyncset.done $0x0  }
0xd9: {  	s6 =	simm.s32 $0x1400;
	[sflag:s28] =	ssyncadd.s32 $0xFFFFF000  }
0xda: {  	[spmem:s3] =	stream.indirect.scatter.add.f32 [tilespmem:s15], [sflag:$0x6], $0x8, s6, s10, $0xb8;
	[tilespmem:$0x1F000] =	vst v63  }
.Ltmp5:
0xdb: {  	_ = 	snop;
	(pc) =	sbr.rel .LBB2_5-.Ltmp5, $4  }
0xdc: {  	_ =	swait.ge [sflag:s28], $0x1000  }
0xdd: {  	[sflag:s28] =	ssyncset.done $0x0  }
0xde: {  	s31 =	simm.s32 $0x1600;
	[sflag:s28] =	ssyncadd.s32 $0xFFFFF000  }
0xdf: {  	[spmem:s3] =	stream.indirect.scatter.add.f32 [tilespmem:s24], [sflag:$0x6], $0x8, s31, s10, $0xb8;
	[tilespmem:$0x1F000] =	vst v63  }
.LBB2_4:
0xe0: {  	p0 =	sgt.u32 s13, $0xC54  }
.Ltmp6:
0xe1: {  	_ = 	snop;
	(pc) =	sbr.rel @p0 .LBB2_6-.Ltmp6, $1  }
0xe2: {  	_ =	sdelay $0x3  }
.LBB2_5:
0xe3: {  	_ =	swait.ge [sflag:s11], $0x1000  }
0xe4: {  	[sflag:s11] =	ssyncset.done $0x0  }
0xe5: {  	[sflag:s11] =	ssyncadd.s32 $0xFFFFF000  }
0xe6: {  	p0 =	sgt.u32 s13, $0xBF4;
	_ =	swait.ge [sflag:s11], $0x1000  }
0xe7: {  	s0 =	sshrl.u32 @!p0 s1, $0x3;
	[sflag:s11] =	ssyncset.done $0x0  }
0xe8: {  	s6 =	simm.s32 @!p0 $0x0;
	s5 =	sadd.s32 @!p0 s12, s0;
	[sflag:s11] =	ssyncadd.s32 $0xFFFFF000  }
0xe9: {  	[tilespmem:s6], [sflag:$0x2] =	stream.linear.gather @!p0 [hbm4b:s5+s6], $0x200, $0x38;
	[tilespmem:$0x1F000] =	vst v63  }
0xea: {  	s5 =	rddreg [dreg:$0xa]  }
0xeb: {  	s0 =	sadd.s32 @!p0 s0, s5;
	s5 =	simm.s32 @!p0 $0x200  }
0xec: {  	[tilespmem:s5], [sflag:$0x2] =	stream.linear.gather @!p0 [hbm4b:s0+s6], $0x200, $0x38;
	[tilespmem:$0x1F000] =	vst v63  }
0xed: {  	s0 =	sadd.s32 @!p0 s9, s23;
	s5 =	simm.s32 @!p0 $0x400  }
0xee: {  	[tilespmem:s5], [sflag:$0x2] =	stream.linear.gather @!p0 [hbm4b:s0+s6], $0x200, $0x38;
	[tilespmem:$0x1F000] =	vst v63  }
0xef: {  	s0 =	sadd.s32 @!p0 s9, s22;
	s5 =	simm.s32 @!p0 $0x600  }
0xf0: {  	[tilespmem:s5], [sflag:$0x2] =	stream.linear.gather @!p0 [hbm4b:s0+s6], $0x200, $0x38;
	[tilespmem:$0x1F000] =	vst v63  }
.LBB2_6:
.Ltmp7:
0xf1: {  	(pc) =	sbr.rel @!p1 .LBB2_7-.Ltmp7, $1  }
0xf2: {  	_ =	sdelay $0x3  }
0xf3: {  	p0 =	sgt.u32 s4, $0xC54  }
.Ltmp8:
0xf4: {  	_ = 	snop;
	(pc) =	sbr.rel @p0 .LBB2_10-.Ltmp8, $4  }
.Ltmp9:
0xf5: {  	_ = 	snop;
	(pc) =	sbr.rel @!p0 .LBB2_9-.Ltmp9, $4  }
0xf6: {  	_ = 	snop  }
0xf7: {  	_ = 	snop  }
0xf8: {  	_ = 	snop  }
0xf9: {  	_ = 	snop  }
.LBB2_12:
0xfa: {  	_ =	sfence.sel $0x180000  }
0xfb: {  	[bflag:$0x0] =	sbarrier.arrive $0xFFFF  }
0xfc: {  	_ =	strace $0x90000047  }
0xfd: {  	s0 =	stileid.u32;
	[bflag:$0x2] =	sbarrier.arrive $0xFFFF  }
0xfe: {  	p0 =	sne.s32 s0, $0x0;
	s0 =	rddreg [dreg:$0x3]  }
0xff: {  	s0 =	sadd.s32 @!p0 $0x100000, s0  }
0x100: {  	[sflag:s0] =	ssyncadd.tile.s32 @!p0 $0x1;
	_ =	shalt  }
.Lfunc_end2:
_tile_overlayer_lowered:
.L_overlay_start_2:
0x101: {  	(tag) =	ssettag $0x2  }
0x102: {  	s0 =	rddreg [dreg:$0x0];
	s2 =	stileid.u32  }
0x103: {  	s1 =	rddreg [dreg:$0x1];
	p0 =	sne.s32 s2, $0x0  }
0x104: {  	s3 =	rddreg [dreg:$0x2];
	[bflag:$0x3] =	sbarrier.arrive $0xFFFF;
	s2 =	simm.s32 @!p0 $0x1C08  }
0x105: {  	[timem:s3], [sflag:s2] =	dma.local @!p0 [hbm:s0], s1  }
0x106: {  	s0 =	simm.s32 @!p0 $0x8  }
0x107: {  	_ =	swait.ge @!p0 [sflag:s0], s1  }
0x108: {  	s1 =	ssub.s32 @!p0 $0x0, s1;
	[sflag:s0] =	ssyncset.done @!p0 $0x0  }
0x109: {  	[sflag:s0] =	ssyncadd.s32 @!p0 s1  }
0x10a: {  	[bflag:$0x3] =	sbarrier.arrive $0xFFFF  }
0x10b: {  	_ =	shalt  }

</sc_bundles>
